<compile_context>
chip_gen: v7x
topology: tpu7x:2x2x1
jax: 0.10.2.dev20260603
libtpu: 0.0.44.dev20260713+nightly
codegen_flags: <defaults>
</compile_context>

<pallas_src>
import functools

import jax
import jax.numpy as jnp
from jax import lax
from jax.experimental import pallas as pl
from jax.experimental.pallas import tpu as pltpu
from jax.experimental.pallas import tpu_sc as plsc

NI = 10000
NU = 10000
D = 128
E = 320000
NROWS = NI + NU
B_SCORE = 8192

NC = 2
NS = 16
IDXW = 128
CW = 64
NBUF = 4
E_PAD = 327680
EPT = E_PAD // NS
NCHUNK = EPT // CW
NB = 32
ACCN = NI + 16

NSC_SCORE = 2 * 2 * B_SCORE
SPT = NSC_SCORE // (NC * NS)
NSCHUNK = SPT // IDXW

_mesh = plsc.VectorSubcoreMesh(
    core_axis_name="c", subcore_axis_name="s", num_cores=NC, num_subcores=NS)


def _msg_body(with_deg, *refs):
    if with_deg:
        (h_hbm, src_hbm, dst_hbm, z2_hbm, z1_hbm, ones_hbm,
         msg_hbm, deg_hbm, sidx, didx, *rest) = refs
        rows = rest[:NBUF]
        ones, dtmp, acc, dacc = rest[NBUF:NBUF + 4]
        sems = rest[NBUF + 4:]
    else:
        (h_hbm, src_hbm, dst_hbm, z2_hbm,
         msg_hbm, sidx, didx, *rest) = refs
        rows = rest[:NBUF]
        acc = rest[NBUF]
        sems = rest[NBUF + 1:]
    cid = lax.axis_index("c")
    sid = lax.axis_index("s")
    irow = cid * (E_PAD // CW) + sid * NCHUNK

    @pl.when(sid < 10)
    def _():
        pltpu.sync_copy(z2_hbm.at[pl.ds(sid * 1000, 1000)],
                        acc.at[pl.ds(sid * 1000, 1000)])
        if with_deg:
            pltpu.sync_copy(z1_hbm.at[pl.ds(sid * 1000, 1000)], dtmp)
            pltpu.sync_copy(dtmp, dacc.at[pl.ds(sid * 1000, 1000)])

    if with_deg:
        pltpu.sync_copy(ones_hbm, ones)
    plsc.subcore_barrier()

    def group(g, carry):
        pltpu.sync_copy(src_hbm.at[pl.ds(irow + g * NB, NB)], sidx)
        pltpu.sync_copy(dst_hbm.at[pl.ds(irow + g * NB, NB)], didx)
        for b in range(NBUF):
            pltpu.async_copy(h_hbm.at[sidx.at[b]], rows[b], sems[b])

        def quad(q, c):
            for b in range(NBUF):
                a = q * NBUF + b
                pltpu.make_async_copy(h_hbm.at[sidx.at[a]], rows[b],
                                      sems[b]).wait()
                pltpu.sync_copy(rows[b], acc.at[didx.at[a]], add=True)
                if with_deg:
                    pltpu.sync_copy(ones, dacc.at[didx.at[a]], add=True)

                @pl.when(q < NB // NBUF - 1)
                def _():
                    pltpu.async_copy(h_hbm.at[sidx.at[a + NBUF]], rows[b],
                                     sems[b])
            return c

        lax.fori_loop(0, NB // NBUF, quad, 0)
        return carry

    lax.fori_loop(0, NCHUNK // NB, group, 0)
    plsc.subcore_barrier()

    @pl.when(sid < 10)
    def _():
        pltpu.sync_copy(acc.at[pl.ds(sid * 1000, 1000)],
                        msg_hbm.at[pl.ds(cid * NI + sid * 1000, 1000)])
        if with_deg:
            pltpu.sync_copy(dacc.at[pl.ds(sid * 1000, 1000)], dtmp)
            pltpu.sync_copy(dtmp, deg_hbm.at[pl.ds(cid * NI + sid * 1000, 1000)])


def _make_msg_kernel(with_deg):
    out_type = [jax.ShapeDtypeStruct((NROWS, D), jnp.float32)]
    scratch = [
        pltpu.VMEM((NB, CW), jnp.int32),
        pltpu.VMEM((NB, CW), jnp.int32),
    ]
    scratch += [pltpu.VMEM((CW, D), jnp.float32) for _ in range(NBUF)]
    if with_deg:
        out_type.append(jax.ShapeDtypeStruct((NROWS,), jnp.float32))
        scratch.append(pltpu.VMEM((CW,), jnp.float32))
        scratch.append(pltpu.VMEM((1000,), jnp.float32))
    scratch.append(pltpu.VMEM_SHARED((ACCN, D), jnp.float32))
    if with_deg:
        scratch.append(pltpu.VMEM_SHARED((ACCN,), jnp.float32))
    scratch += [pltpu.SemaphoreType.DMA for _ in range(NBUF)]
    return pl.kernel(functools.partial(_msg_body, with_deg),
                     out_type=out_type, mesh=_mesh, scratch_types=scratch)


def _gather_body(h_hbm, idx_hbm, out_hbm, idx_v, rows, sem):
    cid = lax.axis_index("c")
    sid = lax.axis_index("s")
    wid = sid * NC + cid

    def chunk(j, carry):
        g = wid * SPT + j * IDXW
        pltpu.sync_copy(idx_hbm.at[pl.ds(g, IDXW)], idx_v)
        pltpu.async_copy(h_hbm.at[idx_v], rows, sem).wait()
        pltpu.sync_copy(rows, out_hbm.at[pl.ds(g, IDXW)])
        return carry

    lax.fori_loop(0, NSCHUNK, chunk, 0)


_gather_kernel = pl.kernel(
    _gather_body,
    out_type=jax.ShapeDtypeStruct((NSC_SCORE, D), jnp.float32),
    mesh=_mesh,
    scratch_types=[
        pltpu.VMEM((IDXW,), jnp.int32),
        pltpu.VMEM((IDXW, D), jnp.float32),
        pltpu.SemaphoreType.DMA,
    ])



_BLK = 400
_NBLK = NROWS // _BLK
_HALF = NI // _BLK


def _proj_body(x_ref, w_ref, o_ref):
    o_ref[...] = jnp.dot(x_ref[...], w_ref[0],
                         preferred_element_type=jnp.float32)


_proj = pl.pallas_call(
    _proj_body,
    grid=(_NBLK,),
    in_specs=[
        pl.BlockSpec((_BLK, D), lambda i: (i, 0)),
        pl.BlockSpec((1, D, D), lambda i: (i // _HALF, 0, 0)),
    ],
    out_specs=pl.BlockSpec((_BLK, D), lambda i: (i, 0)),
    out_shape=jax.ShapeDtypeStruct((NROWS, D), jnp.float32),
)


def _layer_body(residual, *refs):
    if residual:
        h_ref, m_ref, deg_ref, ws_ref, wn_ref, p_ref, o_ref = refs
    else:
        h_ref, m_ref, deg_ref, ws_ref, wn_ref, o_ref = refs
    inv = 1.0 / jnp.maximum(deg_ref[...], 1.0)
    msg = m_ref[...] * inv
    z = (jnp.dot(h_ref[...], ws_ref[0], preferred_element_type=jnp.float32)
         + jnp.dot(msg, wn_ref[0], preferred_element_type=jnp.float32))
    z = jnp.maximum(z, 0.0)
    nrm = jnp.sqrt(jnp.sum(z * z, axis=1, keepdims=True))
    z = z / jnp.maximum(nrm, 1e-6)
    if residual:
        z = z + p_ref[...]
    o_ref[...] = z


def _make_layer(residual):
    in_specs = [
        pl.BlockSpec((_BLK, D), lambda i: (i, 0)),
        pl.BlockSpec((_BLK, D), lambda i: (i, 0)),
        pl.BlockSpec((_BLK, 1), lambda i: (i, 0)),
        pl.BlockSpec((1, D, D), lambda i: (i // _HALF, 0, 0)),
        pl.BlockSpec((1, D, D), lambda i: (i // _HALF, 0, 0)),
    ]
    if residual:
        in_specs.append(pl.BlockSpec((_BLK, D), lambda i: (i, 0)))
    return pl.pallas_call(
        functools.partial(_layer_body, residual),
        grid=(_NBLK,),
        in_specs=in_specs,
        out_specs=pl.BlockSpec((_BLK, D), lambda i: (i, 0)),
        out_shape=jax.ShapeDtypeStruct((NROWS, D), jnp.float32),
    )


_SBLK = 512
_SNBLK = (2 * B_SCORE) // _SBLK


def _dot_body(u_ref, i_ref, o_ref):
    o_ref[...] = jnp.sum(u_ref[...] * i_ref[...], axis=1, keepdims=True)


_dot = pl.pallas_call(
    _dot_body,
    grid=(_SNBLK,),
    in_specs=[
        pl.BlockSpec((_SBLK, D), lambda i: (i, 0)),
        pl.BlockSpec((_SBLK, D), lambda i: (i + _SNBLK, 0)),
    ],
    out_specs=pl.BlockSpec((_SBLK, 1), lambda i: (i, 0)),
    out_shape=jax.ShapeDtypeStruct((2 * B_SCORE, 1), jnp.float32),
)


def kernel(x_item, x_user, W_item, W_user, Ws_item, Wn_item, Ws_user, Wn_user,
           edge_index, pos_edges, neg_edges):
    eu = edge_index[0].astype(jnp.int32)
    ei = edge_index[1].astype(jnp.int32)
    npad = E_PAD - E
    pad_src = jnp.zeros((npad,), jnp.int32)
    pad_dst = jnp.full((npad,), NI, jnp.int32)
    src_idx = jnp.concatenate([eu + NI, pad_src, ei, pad_src]).reshape(-1, CW)
    dst_idx = jnp.concatenate([ei, pad_dst, eu, pad_dst]).reshape(-1, CW)

    x_all = jnp.concatenate([x_item, x_user], axis=0)
    Wp = jnp.stack([W_item, W_user])
    z2 = jnp.zeros((NI, D), jnp.float32)
    z1 = jnp.zeros((NI,), jnp.float32)
    ones = jnp.ones((CW,), jnp.float32)

    p_all = _proj(x_all, Wp)

    msg_deg = _make_msg_kernel(True)
    msg_only = _make_msg_kernel(False)

    msg0, deg = msg_deg(p_all, src_idx, dst_idx, z2, z1, ones)
    deg2d = deg.reshape(NROWS, 1)

    Ws0 = jnp.stack([Ws_item[0], Ws_user[0]])
    Wn0 = jnp.stack([Wn_item[0], Wn_user[0]])
    Ws1 = jnp.stack([Ws_item[1], Ws_user[1]])
    Wn1 = jnp.stack([Wn_item[1], Wn_user[1]])

    h1 = _make_layer(False)(p_all, msg0, deg2d, Ws0, Wn0)
    (msg1,) = msg_only(h1, src_idx, dst_idx, z2)
    h2 = _make_layer(True)(h1, msg1, deg2d, Ws1, Wn1, p_all)

    su = jnp.concatenate([pos_edges[0], neg_edges[0]]).astype(jnp.int32) + NI
    si = jnp.concatenate([pos_edges[1], neg_edges[1]]).astype(jnp.int32)
    gidx = jnp.concatenate([su, si])
    grows = _gather_kernel(h2, gidx)
    scores = _dot(grows, grows)[:, 0]
    return scores[:B_SCORE], scores[B_SCORE:]

# --- scband reference (transcript-rebuilt; emitter-appended) ---
"""Pipeline reference for scband-pin-sagemodel-38474317037987 (READ-ONLY COPY).

The authoritative reference and input builder live on the scoring server;
editing this copy changes nothing except your own understanding.
"""

import jax, jax.numpy as jnp
import numpy as np

N_ITEMS = 10000
N_USERS = 10000
D = 128
N_LAYERS = 2
E = 320000
B_SCORE = 8192


def setup_inputs(seed: int = 0) -> dict:
    key = jax.random.key(seed)
    ks = jax.random.split(key, 12)
    s = 1.0 / np.sqrt(D)
    x_item = jax.random.normal(ks[0], (N_ITEMS, D), dtype=jnp.float32)
    x_user = jax.random.normal(ks[1], (N_USERS, D), dtype=jnp.float32)
    edge_index = jax.random.randint(ks[2], (2, E), 0, N_USERS, dtype=jnp.int64)
    pos_edges = jax.random.randint(ks[3], (2, B_SCORE), 0, N_USERS, dtype=jnp.int64)
    neg_edges = jax.random.randint(ks[4], (2, B_SCORE), 0, N_USERS, dtype=jnp.int64)
    W_item = jax.random.normal(ks[5], (D, D), dtype=jnp.float32) * s
    W_user = jax.random.normal(ks[6], (D, D), dtype=jnp.float32) * s
    Ws_item = jax.random.normal(ks[7], (N_LAYERS, D, D), dtype=jnp.float32) * s
    Wn_item = jax.random.normal(ks[8], (N_LAYERS, D, D), dtype=jnp.float32) * s
    Ws_user = jax.random.normal(ks[9], (N_LAYERS, D, D), dtype=jnp.float32) * s
    Wn_user = jax.random.normal(ks[10], (N_LAYERS, D, D), dtype=jnp.float32) * s
    return {"x_item": x_item, "x_user": x_user, "W_item": W_item, "W_user": W_user,
            "Ws_item": Ws_item, "Wn_item": Wn_item, "Ws_user": Ws_user, "Wn_user": Wn_user,
            "edge_index": edge_index, "pos_edges": pos_edges, "neg_edges": neg_edges}


def reference(x_item, x_user, W_item, W_user, Ws_item, Wn_item, Ws_user, Wn_user,
              edge_index, pos_edges, neg_edges):
    # LinearProjector: project raw features into hidden space
    p_item = x_item @ W_item
    p_user = x_user @ W_user
    h_item, h_user = p_item, p_user
    edge_u = edge_index[0]  # user endpoints
    edge_i = edge_index[1]  # item endpoints
    ones = jnp.ones((E,), dtype=jnp.float32)
    deg_i = jnp.maximum(jax.ops.segment_sum(ones, edge_i, num_segments=N_ITEMS), 1.0)[:, None]
    deg_u = jnp.maximum(jax.ops.segment_sum(ones, edge_u, num_segments=N_USERS), 1.0)[:, None]
    # Net: n_layers of bipartite message passing with mean aggregation (agg_att='mean')
    for l in range(N_LAYERS):
        msg_i = jax.ops.segment_sum(h_user[edge_u], edge_i, num_segments=N_ITEMS) / deg_i
        msg_u = jax.ops.segment_sum(h_item[edge_i], edge_u, num_segments=N_USERS) / deg_u
        nh_item = jax.nn.relu(h_item @ Ws_item[l] + msg_i @ Wn_item[l])
        nh_user = jax.nn.relu(h_user @ Ws_user[l] + msg_u @ Wn_user[l])
        # PinSAGE-style L2 normalization of layer outputs
        nh_item = nh_item / jnp.maximum(jnp.linalg.norm(nh_item, axis=1, keepdims=True), 1e-6)
        nh_user = nh_user / jnp.maximum(jnp.linalg.norm(nh_user, axis=1, keepdims=True), 1e-6)
        h_item, h_user = nh_item, nh_user
    # get_repr: residual connection h_dst + new_h
    h_item = p_item + h_item
    h_user = p_user + h_user
    # UserToItemScorer: dot-product score on pos/neg graph edges
    pos_score = jnp.sum(h_user[pos_edges[0]] * h_item[pos_edges[1]], axis=-1)
    neg_score = jnp.sum(h_user[neg_edges[0]] * h_item[neg_edges[1]], axis=-1)
    return (pos_score, neg_score)

if __name__ == "__main__":
    import jax
    _d = setup_inputs()
    print(jax.jit(kernel)(*tuple(_d.values())))

</pallas_src>

<mosaic_0001>
#map = affine_map<(d0, d1) -> (0, 0)>
#map1 = affine_map<(d0, d1) -> (0)>
module attributes {stable_mosaic.version = 14 : i64} {
  func.func @_msg_body(%arg0: i32, %arg1: i32, %arg2: memref<20000x128xf32, #tpu.memory_space<hbm>>, %arg3: memref<10240x64xi32, #tpu.memory_space<hbm>>, %arg4: memref<10240x64xi32, #tpu.memory_space<hbm>>, %arg5: memref<10000x128xf32, #tpu.memory_space<hbm>>, %arg6: memref<10000xf32, #tpu.memory_space<hbm>>, %arg7: memref<64xf32, #tpu.memory_space<hbm>>, %arg8: memref<20000x128xf32, #tpu.memory_space<hbm>>, %arg9: memref<20000xf32, #tpu.memory_space<hbm>>, %arg10: memref<32x64xi32, #tpu.memory_space<vmem>>, %arg11: memref<32x64xi32, #tpu.memory_space<vmem>>, %arg12: memref<64x128xf32, #tpu.memory_space<vmem>>, %arg13: memref<64x128xf32, #tpu.memory_space<vmem>>, %arg14: memref<64x128xf32, #tpu.memory_space<vmem>>, %arg15: memref<64x128xf32, #tpu.memory_space<vmem>>, %arg16: memref<64xf32, #tpu.memory_space<vmem>>, %arg17: memref<1000xf32, #tpu.memory_space<vmem>>, %arg18: memref<10016x128xf32, #tpu.memory_space<vmem_shared>>, %arg19: memref<10016xf32, #tpu.memory_space<vmem_shared>>, %arg20: memref<!tpu.dma_semaphore, #tpu.memory_space<semaphore_mem>>, %arg21: memref<!tpu.dma_semaphore, #tpu.memory_space<semaphore_mem>>, %arg22: memref<!tpu.dma_semaphore, #tpu.memory_space<semaphore_mem>>, %arg23: memref<!tpu.dma_semaphore, #tpu.memory_space<semaphore_mem>>) attributes {dimension_semantics = [#tpu.dimension_semantics<core_parallel>, #tpu.dimension_semantics<subcore_parallel>], iteration_bounds = array<i64: 2, 16>, scalar_prefetch = 0 : i64, scratch_operands = 14 : i64, tpu.core_type = #tpu.core_type<sc_vector_subcore>, window_params = [{transform_indices = #map}, {transform_indices = #map}, {transform_indices = #map}, {transform_indices = #map}, {transform_indices = #map1}, {transform_indices = #map1}, {transform_indices = #map}, {transform_indices = #map1}]} {
    %mul3A = arith.constant 5120 : i32
    %mul3A_0 = arith.muli %arg0, %mul3A : i32
    %mul3A_1 = arith.constant 320 : i32
    %mul3A_2 = arith.muli %arg1, %mul3A_1 : i32
    %add3A = arith.addi %mul3A_0, %mul3A_2 : i32
    %lt3A = arith.constant 10 : i32
    %lt3A_3 = arith.cmpi slt, %arg1, %lt3A : i32
    %convert_element_type3A = arith.extui %lt3A_3 : i1 to i32
    %cond3A = arith.constant 0 : i32
    %cond3A_4 = arith.cmpi ne, %convert_element_type3A, %cond3A : i32
    scf.if %cond3A_4 {
      %mul3A_16 = arith.constant 1000 : i32
      %mul3A_17 = arith.muli %arg1, %mul3A_16 : i32
      %mul3A_18 = arith.constant 1000 : i32
      %mul3A_19 = arith.muli %arg1, %mul3A_18 : i32
      "tpu.region"() ({
        %run_scoped3A = tpu.sem_alloc : memref<!tpu.dma_semaphore, #tpu.memory_space<semaphore_mem>>
        %dma_start3A = arith.constant 0 : i32
        %dma_start3A_24 = tpu.memref_slice %arg18[%mul3A_19, %dma_start3A] : memref<10016x128xf32, #tpu.memory_space<vmem_shared>> -> memref<1000x128xf32, #tpu.memory_space<vmem_shared>>
        %dma_start3A_25 = arith.constant 0 : i32
        %dma_start3A_26 = tpu.memref_slice %arg5[%mul3A_17, %dma_start3A_25] : memref<10000x128xf32, #tpu.memory_space<hbm>> -> memref<1000x128xf32, #tpu.memory_space<hbm>>
        tpu.enqueue_dma source(%dma_start3A_26 : memref<1000x128xf32, #tpu.memory_space<hbm>>) target(%dma_start3A_24 : memref<1000x128xf32, #tpu.memory_space<vmem_shared>>) target_semaphore(%run_scoped3A : memref<!tpu.dma_semaphore, #tpu.memory_space<semaphore_mem>>)
        %dma_wait3A = arith.constant 0 : i32
        %dma_wait3A_27 = tpu.memref_slice %arg18[%mul3A_19, %dma_wait3A] : memref<10016x128xf32, #tpu.memory_space<vmem_shared>> -> memref<1000x128xf32, #tpu.memory_space<vmem_shared>>
        %dma_wait3A_28 = arith.constant 0 : i32
        %dma_wait3A_29 = tpu.memref_slice %arg5[%mul3A_17, %dma_wait3A_28] : memref<10000x128xf32, #tpu.memory_space<hbm>> -> memref<1000x128xf32, #tpu.memory_space<hbm>>
        tpu.wait_dma2 semaphore(%run_scoped3A : memref<!tpu.dma_semaphore, #tpu.memory_space<semaphore_mem>>) src(%dma_wait3A_29 : memref<1000x128xf32, #tpu.memory_space<hbm>>) dst(%dma_wait3A_27 : memref<1000x128xf32, #tpu.memory_space<vmem_shared>>)
        tpu.yield
      }) : () -> ()
      %mul3A_20 = arith.constant 1000 : i32
      %mul3A_21 = arith.muli %arg1, %mul3A_20 : i32
      "tpu.region"() ({
        %run_scoped3A = tpu.sem_alloc : memref<!tpu.dma_semaphore, #tpu.memory_space<semaphore_mem>>
        %dma_start3A = tpu.memref_slice %arg6[%mul3A_21] : memref<10000xf32, #tpu.memory_space<hbm>> -> memref<1000xf32, #tpu.memory_space<hbm>>
        %dma_start3A_24 = tpu.memref_slice %arg6[%mul3A_21] : memref<10000xf32, #tpu.memory_space<hbm>> -> memref<1000xf32, #tpu.memory_space<hbm>>
        tpu.enqueue_dma source(%dma_start3A_24 : memref<1000xf32, #tpu.memory_space<hbm>>) target(%arg17 : memref<1000xf32, #tpu.memory_space<vmem>>) target_semaphore(%run_scoped3A : memref<!tpu.dma_semaphore, #tpu.memory_space<semaphore_mem>>)
        %dma_wait3A = tpu.memref_slice %arg6[%mul3A_21] : memref<10000xf32, #tpu.memory_space<hbm>> -> memref<1000xf32, #tpu.memory_space<hbm>>
        %dma_wait3A_25 = tpu.memref_slice %arg6[%mul3A_21] : memref<10000xf32, #tpu.memory_space<hbm>> -> memref<1000xf32, #tpu.memory_space<hbm>>
        tpu.wait_dma2 semaphore(%run_scoped3A : memref<!tpu.dma_semaphore, #tpu.memory_space<semaphore_mem>>) src(%dma_wait3A_25 : memref<1000xf32, #tpu.memory_space<hbm>>) dst(%arg17 : memref<1000xf32, #tpu.memory_space<vmem>>)
        tpu.yield
      }) : () -> ()
      %mul3A_22 = arith.constant 1000 : i32
      %mul3A_23 = arith.muli %arg1, %mul3A_22 : i32
      "tpu.region"() ({
        %run_scoped3A = tpu.sem_alloc : memref<!tpu.dma_semaphore, #tpu.memory_space<semaphore_mem>>
        %dma_start3A = tpu.memref_slice %arg19[%mul3A_23] : memref<10016xf32, #tpu.memory_space<vmem_shared>> -> memref<1000xf32, #tpu.memory_space<vmem_shared>>
        %dma_start3A_24 = tpu.memref_slice %arg19[%mul3A_23] : memref<10016xf32, #tpu.memory_space<vmem_shared>> -> memref<1000xf32, #tpu.memory_space<vmem_shared>>
        tpu.enqueue_dma source(%arg17 : memref<1000xf32, #tpu.memory_space<vmem>>) target(%dma_start3A_24 : memref<1000xf32, #tpu.memory_space<vmem_shared>>) target_semaphore(%run_scoped3A : memref<!tpu.dma_semaphore, #tpu.memory_space<semaphore_mem>>)
        %dma_wait3A = tpu.memref_slice %arg19[%mul3A_23] : memref<10016xf32, #tpu.memory_space<vmem_shared>> -> memref<1000xf32, #tpu.memory_space<vmem_shared>>
        %dma_wait3A_25 = tpu.memref_slice %arg19[%mul3A_23] : memref<10016xf32, #tpu.memory_space<vmem_shared>> -> memref<1000xf32, #tpu.memory_space<vmem_shared>>
        tpu.wait_dma2 semaphore(%run_scoped3A : memref<!tpu.dma_semaphore, #tpu.memory_space<semaphore_mem>>) src(%arg17 : memref<1000xf32, #tpu.memory_space<vmem>>) dst(%dma_wait3A_25 : memref<1000xf32, #tpu.memory_space<vmem_shared>>)
        tpu.yield
      }) : () -> ()
    } else {
    }
    "tpu.region"() ({
      %run_scoped3A = tpu.sem_alloc : memref<!tpu.dma_semaphore, #tpu.memory_space<semaphore_mem>>
      tpu.enqueue_dma source(%arg7 : memref<64xf32, #tpu.memory_space<hbm>>) target(%arg16 : memref<64xf32, #tpu.memory_space<vmem>>) target_semaphore(%run_scoped3A : memref<!tpu.dma_semaphore, #tpu.memory_space<semaphore_mem>>)
      tpu.wait_dma2 semaphore(%run_scoped3A : memref<!tpu.dma_semaphore, #tpu.memory_space<semaphore_mem>>) src(%arg7 : memref<64xf32, #tpu.memory_space<hbm>>) dst(%arg16 : memref<64xf32, #tpu.memory_space<vmem>>)
      tpu.yield
    }) : () -> ()
    %barrier3A = arith.constant 0 : index
    tpu.barrier barrier_id(%barrier3A)
    %scan3A = arith.constant 0 : i32
    %scan3A_5 = arith.constant 0 : i32
    %scan3A_6 = arith.constant 10 : i32
    %scan3A_7 = arith.addi %scan3A_5, %scan3A_6 : i32
    %scan3A_8 = arith.constant 1 : i32
    scf.for %scan3A_16 = %scan3A_5 to %scan3A_7 step %scan3A_8  : i32 {
      %mul3A_17 = arith.constant 32 : i32
      %mul3A_18 = arith.muli %scan3A_16, %mul3A_17 : i32
      %add3A_19 = arith.addi %add3A, %mul3A_18 : i32
      "tpu.region"() ({
        %run_scoped3A = tpu.sem_alloc : memref<!tpu.dma_semaphore, #tpu.memory_space<semaphore_mem>>
        %dma_start3A_56 = arith.constant 0 : i32
        %dma_start3A_57 = tpu.memref_slice %arg3[%add3A_19, %dma_start3A_56] : memref<10240x64xi32, #tpu.memory_space<hbm>> -> memref<32x64xi32, #tpu.memory_space<hbm>>
        %dma_start3A_58 = arith.constant 0 : i32
        %dma_start3A_59 = tpu.memref_slice %arg3[%add3A_19, %dma_start3A_58] : memref<10240x64xi32, #tpu.memory_space<hbm>> -> memref<32x64xi32, #tpu.memory_space<hbm>>
        tpu.enqueue_dma source(%dma_start3A_59 : memref<32x64xi32, #tpu.memory_space<hbm>>) target(%arg10 : memref<32x64xi32, #tpu.memory_space<vmem>>) target_semaphore(%run_scoped3A : memref<!tpu.dma_semaphore, #tpu.memory_space<semaphore_mem>>)
        %dma_wait3A = arith.constant 0 : i32
        %dma_wait3A_60 = tpu.memref_slice %arg3[%add3A_19, %dma_wait3A] : memref<10240x64xi32, #tpu.memory_space<hbm>> -> memref<32x64xi32, #tpu.memory_space<hbm>>
        %dma_wait3A_61 = arith.constant 0 : i32
        %dma_wait3A_62 = tpu.memref_slice %arg3[%add3A_19, %dma_wait3A_61] : memref<10240x64xi32, #tpu.memory_space<hbm>> -> memref<32x64xi32, #tpu.memory_space<hbm>>
        tpu.wait_dma2 semaphore(%run_scoped3A : memref<!tpu.dma_semaphore, #tpu.memory_space<semaphore_mem>>) src(%dma_wait3A_62 : memref<32x64xi32, #tpu.memory_space<hbm>>) dst(%arg10 : memref<32x64xi32, #tpu.memory_space<vmem>>)
        tpu.yield
      }) : () -> ()
      %mul3A_20 = arith.constant 32 : i32
      %mul3A_21 = arith.muli %scan3A_16, %mul3A_20 : i32
      %add3A_22 = arith.addi %add3A, %mul3A_21 : i32
      "tpu.region"() ({
        %run_scoped3A = tpu.sem_alloc : memref<!tpu.dma_semaphore, #tpu.memory_space<semaphore_mem>>
        %dma_start3A_56 = arith.constant 0 : i32
        %dma_start3A_57 = tpu.memref_slice %arg4[%add3A_22, %dma_start3A_56] : memref<10240x64xi32, #tpu.memory_space<hbm>> -> memref<32x64xi32, #tpu.memory_space<hbm>>
        %dma_start3A_58 = arith.constant 0 : i32
        %dma_start3A_59 = tpu.memref_slice %arg4[%add3A_22, %dma_start3A_58] : memref<10240x64xi32, #tpu.memory_space<hbm>> -> memref<32x64xi32, #tpu.memory_space<hbm>>
        tpu.enqueue_dma source(%dma_start3A_59 : memref<32x64xi32, #tpu.memory_space<hbm>>) target(%arg11 : memref<32x64xi32, #tpu.memory_space<vmem>>) target_semaphore(%run_scoped3A : memref<!tpu.dma_semaphore, #tpu.memory_space<semaphore_mem>>)
        %dma_wait3A = arith.constant 0 : i32
        %dma_wait3A_60 = tpu.memref_slice %arg4[%add3A_22, %dma_wait3A] : memref<10240x64xi32, #tpu.memory_space<hbm>> -> memref<32x64xi32, #tpu.memory_space<hbm>>
        %dma_wait3A_61 = arith.constant 0 : i32
        %dma_wait3A_62 = tpu.memref_slice %arg4[%add3A_22, %dma_wait3A_61] : memref<10240x64xi32, #tpu.memory_space<hbm>> -> memref<32x64xi32, #tpu.memory_space<hbm>>
        tpu.wait_dma2 semaphore(%run_scoped3A : memref<!tpu.dma_semaphore, #tpu.memory_space<semaphore_mem>>) src(%dma_wait3A_62 : memref<32x64xi32, #tpu.memory_space<hbm>>) dst(%arg11 : memref<32x64xi32, #tpu.memory_space<vmem>>)
        tpu.yield
      }) : () -> ()
      %dma_start3A = arith.constant 0 : i32
      %dma_start3A_23 = arith.constant 0 : i32
      %dma_start3A_24 = tpu.memref_slice %arg10[%dma_start3A, %dma_start3A_23] : memref<32x64xi32, #tpu.memory_space<vmem>> -> memref<1x64xi32, #tpu.memory_space<vmem>>
      %dma_start3A_25 = tpu.memref_squeeze %dma_start3A_24 : memref<1x64xi32, #tpu.memory_space<vmem>> -> memref<64xi32, #tpu.memory_space<vmem>>
      %dma_start3A_26 = arith.constant 0 : i32
      %dma_start3A_27 = arith.constant 0 : i32
      %dma_start3A_28 = tpu.memref_slice %arg2[%dma_start3A_26, %dma_start3A_27] : memref<20000x128xf32, #tpu.memory_space<hbm>> -> memref<20000x128xf32, #tpu.memory_space<hbm>>
      tpu.enqueue_indirect_dma source(%dma_start3A_28 : memref<20000x128xf32, #tpu.memory_space<hbm>>) target(%arg12 : memref<64x128xf32, #tpu.memory_space<vmem>>) offsets(%dma_start3A_25 : memref<64xi32, #tpu.memory_space<vmem>>) semaphore(%arg20 : memref<!tpu.dma_semaphore, #tpu.memory_space<semaphore_mem>>)
      %dma_start3A_29 = arith.constant 1 : i32
      %dma_start3A_30 = arith.constant 0 : i32
      %dma_start3A_31 = tpu.memref_slice %arg10[%dma_start3A_29, %dma_start3A_30] : memref<32x64xi32, #tpu.memory_space<vmem>> -> memref<1x64xi32, #tpu.memory_space<vmem>>
      %dma_start3A_32 = tpu.memref_squeeze %dma_start3A_31 : memref<1x64xi32, #tpu.memory_space<vmem>> -> memref<64xi32, #tpu.memory_space<vmem>>
      %dma_start3A_33 = arith.constant 0 : i32
      %dma_start3A_34 = arith.constant 0 : i32
      %dma_start3A_35 = tpu.memref_slice %arg2[%dma_start3A_33, %dma_start3A_34] : memref<20000x128xf32, #tpu.memory_space<hbm>> -> memref<20000x128xf32, #tpu.memory_space<hbm>>
      tpu.enqueue_indirect_dma source(%dma_start3A_35 : memref<20000x128xf32, #tpu.memory_space<hbm>>) target(%arg13 : memref<64x128xf32, #tpu.memory_space<vmem>>) offsets(%dma_start3A_32 : memref<64xi32, #tpu.memory_space<vmem>>) semaphore(%arg21 : memref<!tpu.dma_semaphore, #tpu.memory_space<semaphore_mem>>)
      %dma_start3A_36 = arith.constant 2 : i32
      %dma_start3A_37 = arith.constant 0 : i32
      %dma_start3A_38 = tpu.memref_slice %arg10[%dma_start3A_36, %dma_start3A_37] : memref<32x64xi32, #tpu.memory_space<vmem>> -> memref<1x64xi32, #tpu.memory_space<vmem>>
      %dma_start3A_39 = tpu.memref_squeeze %dma_start3A_38 : memref<1x64xi32, #tpu.memory_space<vmem>> -> memref<64xi32, #tpu.memory_space<vmem>>
      %dma_start3A_40 = arith.constant 0 : i32
      %dma_start3A_41 = arith.constant 0 : i32
      %dma_start3A_42 = tpu.memref_slice %arg2[%dma_start3A_40, %dma_start3A_41] : memref<20000x128xf32, #tpu.memory_space<hbm>> -> memref<20000x128xf32, #tpu.memory_space<hbm>>
      tpu.enqueue_indirect_dma source(%dma_start3A_42 : memref<20000x128xf32, #tpu.memory_space<hbm>>) target(%arg14 : memref<64x128xf32, #tpu.memory_space<vmem>>) offsets(%dma_start3A_39 : memref<64xi32, #tpu.memory_space<vmem>>) semaphore(%arg22 : memref<!tpu.dma_semaphore, #tpu.memory_space<semaphore_mem>>)
      %dma_start3A_43 = arith.constant 3 : i32
      %dma_start3A_44 = arith.constant 0 : i32
      %dma_start3A_45 = tpu.memref_slice %arg10[%dma_start3A_43, %dma_start3A_44] : memref<32x64xi32, #tpu.memory_space<vmem>> -> memref<1x64xi32, #tpu.memory_space<vmem>>
      %dma_start3A_46 = tpu.memref_squeeze %dma_start3A_45 : memref<1x64xi32, #tpu.memory_space<vmem>> -> memref<64xi32, #tpu.memory_space<vmem>>
      %dma_start3A_47 = arith.constant 0 : i32
      %dma_start3A_48 = arith.constant 0 : i32
      %dma_start3A_49 = tpu.memref_slice %arg2[%dma_start3A_47, %dma_start3A_48] : memref<20000x128xf32, #tpu.memory_space<hbm>> -> memref<20000x128xf32, #tpu.memory_space<hbm>>
      tpu.enqueue_indirect_dma source(%dma_start3A_49 : memref<20000x128xf32, #tpu.memory_space<hbm>>) target(%arg15 : memref<64x128xf32, #tpu.memory_space<vmem>>) offsets(%dma_start3A_46 : memref<64xi32, #tpu.memory_space<vmem>>) semaphore(%arg23 : memref<!tpu.dma_semaphore, #tpu.memory_space<semaphore_mem>>)
      %scan3A_50 = arith.constant 0 : i32
      %scan3A_51 = arith.constant 0 : i32
      %scan3A_52 = arith.constant 8 : i32
      %scan3A_53 = arith.addi %scan3A_51, %scan3A_52 : i32
      %scan3A_54 = arith.constant 1 : i32
      scf.for %scan3A_56 = %scan3A_51 to %scan3A_53 step %scan3A_54  : i32 {
        %mul3A_57 = arith.constant 4 : i32
        %mul3A_58 = arith.muli %scan3A_56, %mul3A_57 : i32
        %add3A_59 = arith.constant 0 : i32
        %add3A_60 = arith.addi %mul3A_58, %add3A_59 : i32
        %dma_wait3A = arith.constant 0 : i32
        %dma_wait3A_61 = tpu.memref_slice %arg10[%add3A_60, %dma_wait3A] : memref<32x64xi32, #tpu.memory_space<vmem>> -> memref<1x64xi32, #tpu.memory_space<vmem>>
        %dma_wait3A_62 = tpu.memref_squeeze %dma_wait3A_61 : memref<1x64xi32, #tpu.memory_space<vmem>> -> memref<64xi32, #tpu.memory_space<vmem>>
        %dma_wait3A_63 = arith.constant 0 : i32
        %dma_wait3A_64 = arith.constant 0 : i32
        %dma_wait3A_65 = tpu.memref_slice %arg2[%dma_wait3A_63, %dma_wait3A_64] : memref<20000x128xf32, #tpu.memory_space<hbm>> -> memref<20000x128xf32, #tpu.memory_space<hbm>>
        tpu.wait_indirect_dma semaphore(%arg20 : memref<!tpu.dma_semaphore, #tpu.memory_space<semaphore_mem>>) src(%dma_wait3A_65 : memref<20000x128xf32, #tpu.memory_space<hbm>>) dst(%arg12 : memref<64x128xf32, #tpu.memory_space<vmem>>)
        "tpu.region"() ({
          %run_scoped3A = tpu.sem_alloc : memref<!tpu.dma_semaphore, #tpu.memory_space<semaphore_mem>>
          %dma_start3A_116 = arith.constant 0 : i32
          %dma_start3A_117 = tpu.memref_slice %arg11[%add3A_60, %dma_start3A_116] : memref<32x64xi32, #tpu.memory_space<vmem>> -> memref<1x64xi32, #tpu.memory_space<vmem>>
          %dma_start3A_118 = tpu.memref_squeeze %dma_start3A_117 : memref<1x64xi32, #tpu.memory_space<vmem>> -> memref<64xi32, #tpu.memory_space<vmem>>
          %dma_start3A_119 = arith.constant 0 : i32
          %dma_start3A_120 = arith.constant 0 : i32
          %dma_start3A_121 = tpu.memref_slice %arg18[%dma_start3A_119, %dma_start3A_120] : memref<10016x128xf32, #tpu.memory_space<vmem_shared>> -> memref<10016x128xf32, #tpu.memory_space<vmem_shared>>
          tpu.enqueue_indirect_dma source(%arg12 : memref<64x128xf32, #tpu.memory_space<vmem>>) target(%dma_start3A_121 : memref<10016x128xf32, #tpu.memory_space<vmem_shared>>) offsets(%dma_start3A_118 : memref<64xi32, #tpu.memory_space<vmem>>) semaphore(%run_scoped3A : memref<!tpu.dma_semaphore, #tpu.memory_space<semaphore_mem>>) {add = true}
          %dma_wait3A_122 = arith.constant 0 : i32
          %dma_wait3A_123 = tpu.memref_slice %arg11[%add3A_60, %dma_wait3A_122] : memref<32x64xi32, #tpu.memory_space<vmem>> -> memref<1x64xi32, #tpu.memory_space<vmem>>
          %dma_wait3A_124 = tpu.memref_squeeze %dma_wait3A_123 : memref<1x64xi32, #tpu.memory_space<vmem>> -> memref<64xi32, #tpu.memory_space<vmem>>
          %dma_wait3A_125 = arith.constant 0 : i32
          %dma_wait3A_126 = arith.constant 0 : i32
          %dma_wait3A_127 = tpu.memref_slice %arg18[%dma_wait3A_125, %dma_wait3A_126] : memref<10016x128xf32, #tpu.memory_space<vmem_shared>> -> memref<10016x128xf32, #tpu.memory_space<vmem_shared>>
          tpu.wait_indirect_dma semaphore(%run_scoped3A : memref<!tpu.dma_semaphore, #tpu.memory_space<semaphore_mem>>) src(%arg12 : memref<64x128xf32, #tpu.memory_space<vmem>>) dst(%dma_wait3A_127 : memref<10016x128xf32, #tpu.memory_space<vmem_shared>>)
          tpu.yield
        }) : () -> ()
        "tpu.region"() ({
          %run_scoped3A = tpu.sem_alloc : memref<!tpu.dma_semaphore, #tpu.memory_space<semaphore_mem>>
          %dma_start3A_116 = arith.constant 0 : i32
          %dma_start3A_117 = tpu.memref_slice %arg11[%add3A_60, %dma_start3A_116] : memref<32x64xi32, #tpu.memory_space<vmem>> -> memref<1x64xi32, #tpu.memory_space<vmem>>
          %dma_start3A_118 = tpu.memref_squeeze %dma_start3A_117 : memref<1x64xi32, #tpu.memory_space<vmem>> -> memref<64xi32, #tpu.memory_space<vmem>>
          %dma_start3A_119 = arith.constant 0 : i32
          %dma_start3A_120 = tpu.memref_slice %arg19[%dma_start3A_119] : memref<10016xf32, #tpu.memory_space<vmem_shared>> -> memref<10016xf32, #tpu.memory_space<vmem_shared>>
          tpu.enqueue_indirect_dma source(%arg16 : memref<64xf32, #tpu.memory_space<vmem>>) target(%dma_start3A_120 : memref<10016xf32, #tpu.memory_space<vmem_shared>>) offsets(%dma_start3A_118 : memref<64xi32, #tpu.memory_space<vmem>>) semaphore(%run_scoped3A : memref<!tpu.dma_semaphore, #tpu.memory_space<semaphore_mem>>) {add = true}
          %dma_wait3A_121 = arith.constant 0 : i32
          %dma_wait3A_122 = tpu.memref_slice %arg11[%add3A_60, %dma_wait3A_121] : memref<32x64xi32, #tpu.memory_space<vmem>> -> memref<1x64xi32, #tpu.memory_space<vmem>>
          %dma_wait3A_123 = tpu.memref_squeeze %dma_wait3A_122 : memref<1x64xi32, #tpu.memory_space<vmem>> -> memref<64xi32, #tpu.memory_space<vmem>>
          %dma_wait3A_124 = arith.constant 0 : i32
          %dma_wait3A_125 = tpu.memref_slice %arg19[%dma_wait3A_124] : memref<10016xf32, #tpu.memory_space<vmem_shared>> -> memref<10016xf32, #tpu.memory_space<vmem_shared>>
          tpu.wait_indirect_dma semaphore(%run_scoped3A : memref<!tpu.dma_semaphore, #tpu.memory_space<semaphore_mem>>) src(%arg16 : memref<64xf32, #tpu.memory_space<vmem>>) dst(%dma_wait3A_125 : memref<10016xf32, #tpu.memory_space<vmem_shared>>)
          tpu.yield
        }) : () -> ()
        %lt3A_66 = arith.constant 7 : i32
        %lt3A_67 = arith.cmpi slt, %scan3A_56, %lt3A_66 : i32
        %convert_element_type3A_68 = arith.extui %lt3A_67 : i1 to i32
        %cond3A_69 = arith.constant 0 : i32
        %cond3A_70 = arith.cmpi ne, %convert_element_type3A_68, %cond3A_69 : i32
        scf.if %cond3A_70 {
          %add3A_116 = arith.constant 4 : i32
          %add3A_117 = arith.addi %add3A_60, %add3A_116 : i32
          %dma_start3A_118 = arith.constant 0 : i32
          %dma_start3A_119 = tpu.memref_slice %arg10[%add3A_117, %dma_start3A_118] : memref<32x64xi32, #tpu.memory_space<vmem>> -> memref<1x64xi32, #tpu.memory_space<vmem>>
          %dma_start3A_120 = tpu.memref_squeeze %dma_start3A_119 : memref<1x64xi32, #tpu.memory_space<vmem>> -> memref<64xi32, #tpu.memory_space<vmem>>
          %dma_start3A_121 = arith.constant 0 : i32
          %dma_start3A_122 = arith.constant 0 : i32
          %dma_start3A_123 = tpu.memref_slice %arg2[%dma_start3A_121, %dma_start3A_122] : memref<20000x128xf32, #tpu.memory_space<hbm>> -> memref<20000x128xf32, #tpu.memory_space<hbm>>
          tpu.enqueue_indirect_dma source(%dma_start3A_123 : memref<20000x128xf32, #tpu.memory_space<hbm>>) target(%arg12 : memref<64x128xf32, #tpu.memory_space<vmem>>) offsets(%dma_start3A_120 : memref<64xi32, #tpu.memory_space<vmem>>) semaphore(%arg20 : memref<!tpu.dma_semaphore, #tpu.memory_space<semaphore_mem>>)
        } else {
        }
        %mul3A_71 = arith.constant 4 : i32
        %mul3A_72 = arith.muli %scan3A_56, %mul3A_71 : i32
        %add3A_73 = arith.constant 1 : i32
        %add3A_74 = arith.addi %mul3A_72, %add3A_73 : i32
        %dma_wait3A_75 = arith.constant 0 : i32
        %dma_wait3A_76 = tpu.memref_slice %arg10[%add3A_74, %dma_wait3A_75] : memref<32x64xi32, #tpu.memory_space<vmem>> -> memref<1x64xi32, #tpu.memory_space<vmem>>
        %dma_wait3A_77 = tpu.memref_squeeze %dma_wait3A_76 : memref<1x64xi32, #tpu.memory_space<vmem>> -> memref<64xi32, #tpu.memory_space<vmem>>
        %dma_wait3A_78 = arith.constant 0 : i32
        %dma_wait3A_79 = arith.constant 0 : i32
        %dma_wait3A_80 = tpu.memref_slice %arg2[%dma_wait3A_78, %dma_wait3A_79] : memref<20000x128xf32, #tpu.memory_space<hbm>> -> memref<20000x128xf32, #tpu.memory_space<hbm>>
        tpu.wait_indirect_dma semaphore(%arg21 : memref<!tpu.dma_semaphore, #tpu.memory_space<semaphore_mem>>) src(%dma_wait3A_80 : memref<20000x128xf32, #tpu.memory_space<hbm>>) dst(%arg13 : memref<64x128xf32, #tpu.memory_space<vmem>>)
        "tpu.region"() ({
          %run_scoped3A = tpu.sem_alloc : memref<!tpu.dma_semaphore, #tpu.memory_space<semaphore_mem>>
          %dma_start3A_116 = arith.constant 0 : i32
          %dma_start3A_117 = tpu.memref_slice %arg11[%add3A_74, %dma_start3A_116] : memref<32x64xi32, #tpu.memory_space<vmem>> -> memref<1x64xi32, #tpu.memory_space<vmem>>
          %dma_start3A_118 = tpu.memref_squeeze %dma_start3A_117 : memref<1x64xi32, #tpu.memory_space<vmem>> -> memref<64xi32, #tpu.memory_space<vmem>>
          %dma_start3A_119 = arith.constant 0 : i32
          %dma_start3A_120 = arith.constant 0 : i32
          %dma_start3A_121 = tpu.memref_slice %arg18[%dma_start3A_119, %dma_start3A_120] : memref<10016x128xf32, #tpu.memory_space<vmem_shared>> -> memref<10016x128xf32, #tpu.memory_space<vmem_shared>>
          tpu.enqueue_indirect_dma source(%arg13 : memref<64x128xf32, #tpu.memory_space<vmem>>) target(%dma_start3A_121 : memref<10016x128xf32, #tpu.memory_space<vmem_shared>>) offsets(%dma_start3A_118 : memref<64xi32, #tpu.memory_space<vmem>>) semaphore(%run_scoped3A : memref<!tpu.dma_semaphore, #tpu.memory_space<semaphore_mem>>) {add = true}
          %dma_wait3A_122 = arith.constant 0 : i32
          %dma_wait3A_123 = tpu.memref_slice %arg11[%add3A_74, %dma_wait3A_122] : memref<32x64xi32, #tpu.memory_space<vmem>> -> memref<1x64xi32, #tpu.memory_space<vmem>>
          %dma_wait3A_124 = tpu.memref_squeeze %dma_wait3A_123 : memref<1x64xi32, #tpu.memory_space<vmem>> -> memref<64xi32, #tpu.memory_space<vmem>>
          %dma_wait3A_125 = arith.constant 0 : i32
          %dma_wait3A_126 = arith.constant 0 : i32
          %dma_wait3A_127 = tpu.memref_slice %arg18[%dma_wait3A_125, %dma_wait3A_126] : memref<10016x128xf32, #tpu.memory_space<vmem_shared>> -> memref<10016x128xf32, #tpu.memory_space<vmem_shared>>
          tpu.wait_indirect_dma semaphore(%run_scoped3A : memref<!tpu.dma_semaphore, #tpu.memory_space<semaphore_mem>>) src(%arg13 : memref<64x128xf32, #tpu.memory_space<vmem>>) dst(%dma_wait3A_127 : memref<10016x128xf32, #tpu.memory_space<vmem_shared>>)
          tpu.yield
        }) : () -> ()
        "tpu.region"() ({
          %run_scoped3A = tpu.sem_alloc : memref<!tpu.dma_semaphore, #tpu.memory_space<semaphore_mem>>
          %dma_start3A_116 = arith.constant 0 : i32
          %dma_start3A_117 = tpu.memref_slice %arg11[%add3A_74, %dma_start3A_116] : memref<32x64xi32, #tpu.memory_space<vmem>> -> memref<1x64xi32, #tpu.memory_space<vmem>>
          %dma_start3A_118 = tpu.memref_squeeze %dma_start3A_117 : memref<1x64xi32, #tpu.memory_space<vmem>> -> memref<64xi32, #tpu.memory_space<vmem>>
          %dma_start3A_119 = arith.constant 0 : i32
          %dma_start3A_120 = tpu.memref_slice %arg19[%dma_start3A_119] : memref<10016xf32, #tpu.memory_space<vmem_shared>> -> memref<10016xf32, #tpu.memory_space<vmem_shared>>
          tpu.enqueue_indirect_dma source(%arg16 : memref<64xf32, #tpu.memory_space<vmem>>) target(%dma_start3A_120 : memref<10016xf32, #tpu.memory_space<vmem_shared>>) offsets(%dma_start3A_118 : memref<64xi32, #tpu.memory_space<vmem>>) semaphore(%run_scoped3A : memref<!tpu.dma_semaphore, #tpu.memory_space<semaphore_mem>>) {add = true}
          %dma_wait3A_121 = arith.constant 0 : i32
          %dma_wait3A_122 = tpu.memref_slice %arg11[%add3A_74, %dma_wait3A_121] : memref<32x64xi32, #tpu.memory_space<vmem>> -> memref<1x64xi32, #tpu.memory_space<vmem>>
          %dma_wait3A_123 = tpu.memref_squeeze %dma_wait3A_122 : memref<1x64xi32, #tpu.memory_space<vmem>> -> memref<64xi32, #tpu.memory_space<vmem>>
          %dma_wait3A_124 = arith.constant 0 : i32
          %dma_wait3A_125 = tpu.memref_slice %arg19[%dma_wait3A_124] : memref<10016xf32, #tpu.memory_space<vmem_shared>> -> memref<10016xf32, #tpu.memory_space<vmem_shared>>
          tpu.wait_indirect_dma semaphore(%run_scoped3A : memref<!tpu.dma_semaphore, #tpu.memory_space<semaphore_mem>>) src(%arg16 : memref<64xf32, #tpu.memory_space<vmem>>) dst(%dma_wait3A_125 : memref<10016xf32, #tpu.memory_space<vmem_shared>>)
          tpu.yield
        }) : () -> ()
        %lt3A_81 = arith.constant 7 : i32
        %lt3A_82 = arith.cmpi slt, %scan3A_56, %lt3A_81 : i32
        %convert_element_type3A_83 = arith.extui %lt3A_82 : i1 to i32
        %cond3A_84 = arith.constant 0 : i32
        %cond3A_85 = arith.cmpi ne, %convert_element_type3A_83, %cond3A_84 : i32
        scf.if %cond3A_85 {
          %add3A_116 = arith.constant 4 : i32
          %add3A_117 = arith.addi %add3A_74, %add3A_116 : i32
          %dma_start3A_118 = arith.constant 0 : i32
          %dma_start3A_119 = tpu.memref_slice %arg10[%add3A_117, %dma_start3A_118] : memref<32x64xi32, #tpu.memory_space<vmem>> -> memref<1x64xi32, #tpu.memory_space<vmem>>
          %dma_start3A_120 = tpu.memref_squeeze %dma_start3A_119 : memref<1x64xi32, #tpu.memory_space<vmem>> -> memref<64xi32, #tpu.memory_space<vmem>>
          %dma_start3A_121 = arith.constant 0 : i32
          %dma_start3A_122 = arith.constant 0 : i32
          %dma_start3A_123 = tpu.memref_slice %arg2[%dma_start3A_121, %dma_start3A_122] : memref<20000x128xf32, #tpu.memory_space<hbm>> -> memref<20000x128xf32, #tpu.memory_space<hbm>>
          tpu.enqueue_indirect_dma source(%dma_start3A_123 : memref<20000x128xf32, #tpu.memory_space<hbm>>) target(%arg13 : memref<64x128xf32, #tpu.memory_space<vmem>>) offsets(%dma_start3A_120 : memref<64xi32, #tpu.memory_space<vmem>>) semaphore(%arg21 : memref<!tpu.dma_semaphore, #tpu.memory_space<semaphore_mem>>)
        } else {
        }
        %mul3A_86 = arith.constant 4 : i32
        %mul3A_87 = arith.muli %scan3A_56, %mul3A_86 : i32
        %add3A_88 = arith.constant 2 : i32
        %add3A_89 = arith.addi %mul3A_87, %add3A_88 : i32
        %dma_wait3A_90 = arith.constant 0 : i32
        %dma_wait3A_91 = tpu.memref_slice %arg10[%add3A_89, %dma_wait3A_90] : memref<32x64xi32, #tpu.memory_space<vmem>> -> memref<1x64xi32, #tpu.memory_space<vmem>>
        %dma_wait3A_92 = tpu.memref_squeeze %dma_wait3A_91 : memref<1x64xi32, #tpu.memory_space<vmem>> -> memref<64xi32, #tpu.memory_space<vmem>>
        %dma_wait3A_93 = arith.constant 0 : i32
        %dma_wait3A_94 = arith.constant 0 : i32
        %dma_wait3A_95 = tpu.memref_slice %arg2[%dma_wait3A_93, %dma_wait3A_94] : memref<20000x128xf32, #tpu.memory_space<hbm>> -> memref<20000x128xf32, #tpu.memory_space<hbm>>
        tpu.wait_indirect_dma semaphore(%arg22 : memref<!tpu.dma_semaphore, #tpu.memory_space<semaphore_mem>>) src(%dma_wait3A_95 : memref<20000x128xf32, #tpu.memory_space<hbm>>) dst(%arg14 : memref<64x128xf32, #tpu.memory_space<vmem>>)
        "tpu.region"() ({
          %run_scoped3A = tpu.sem_alloc : memref<!tpu.dma_semaphore, #tpu.memory_space<semaphore_mem>>
          %dma_start3A_116 = arith.constant 0 : i32
          %dma_start3A_117 = tpu.memref_slice %arg11[%add3A_89, %dma_start3A_116] : memref<32x64xi32, #tpu.memory_space<vmem>> -> memref<1x64xi32, #tpu.memory_space<vmem>>
          %dma_start3A_118 = tpu.memref_squeeze %dma_start3A_117 : memref<1x64xi32, #tpu.memory_space<vmem>> -> memref<64xi32, #tpu.memory_space<vmem>>
          %dma_start3A_119 = arith.constant 0 : i32
          %dma_start3A_120 = arith.constant 0 : i32
          %dma_start3A_121 = tpu.memref_slice %arg18[%dma_start3A_119, %dma_start3A_120] : memref<10016x128xf32, #tpu.memory_space<vmem_shared>> -> memref<10016x128xf32, #tpu.memory_space<vmem_shared>>
          tpu.enqueue_indirect_dma source(%arg14 : memref<64x128xf32, #tpu.memory_space<vmem>>) target(%dma_start3A_121 : memref<10016x128xf32, #tpu.memory_space<vmem_shared>>) offsets(%dma_start3A_118 : memref<64xi32, #tpu.memory_space<vmem>>) semaphore(%run_scoped3A : memref<!tpu.dma_semaphore, #tpu.memory_space<semaphore_mem>>) {add = true}
          %dma_wait3A_122 = arith.constant 0 : i32
          %dma_wait3A_123 = tpu.memref_slice %arg11[%add3A_89, %dma_wait3A_122] : memref<32x64xi32, #tpu.memory_space<vmem>> -> memref<1x64xi32, #tpu.memory_space<vmem>>
          %dma_wait3A_124 = tpu.memref_squeeze %dma_wait3A_123 : memref<1x64xi32, #tpu.memory_space<vmem>> -> memref<64xi32, #tpu.memory_space<vmem>>
          %dma_wait3A_125 = arith.constant 0 : i32
          %dma_wait3A_126 = arith.constant 0 : i32
          %dma_wait3A_127 = tpu.memref_slice %arg18[%dma_wait3A_125, %dma_wait3A_126] : memref<10016x128xf32, #tpu.memory_space<vmem_shared>> -> memref<10016x128xf32, #tpu.memory_space<vmem_shared>>
          tpu.wait_indirect_dma semaphore(%run_scoped3A : memref<!tpu.dma_semaphore, #tpu.memory_space<semaphore_mem>>) src(%arg14 : memref<64x128xf32, #tpu.memory_space<vmem>>) dst(%dma_wait3A_127 : memref<10016x128xf32, #tpu.memory_space<vmem_shared>>)
          tpu.yield
        }) : () -> ()
        "tpu.region"() ({
          %run_scoped3A = tpu.sem_alloc : memref<!tpu.dma_semaphore, #tpu.memory_space<semaphore_mem>>
          %dma_start3A_116 = arith.constant 0 : i32
          %dma_start3A_117 = tpu.memref_slice %arg11[%add3A_89, %dma_start3A_116] : memref<32x64xi32, #tpu.memory_space<vmem>> -> memref<1x64xi32, #tpu.memory_space<vmem>>
          %dma_start3A_118 = tpu.memref_squeeze %dma_start3A_117 : memref<1x64xi32, #tpu.memory_space<vmem>> -> memref<64xi32, #tpu.memory_space<vmem>>
          %dma_start3A_119 = arith.constant 0 : i32
          %dma_start3A_120 = tpu.memref_slice %arg19[%dma_start3A_119] : memref<10016xf32, #tpu.memory_space<vmem_shared>> -> memref<10016xf32, #tpu.memory_space<vmem_shared>>
          tpu.enqueue_indirect_dma source(%arg16 : memref<64xf32, #tpu.memory_space<vmem>>) target(%dma_start3A_120 : memref<10016xf32, #tpu.memory_space<vmem_shared>>) offsets(%dma_start3A_118 : memref<64xi32, #tpu.memory_space<vmem>>) semaphore(%run_scoped3A : memref<!tpu.dma_semaphore, #tpu.memory_space<semaphore_mem>>) {add = true}
          %dma_wait3A_121 = arith.constant 0 : i32
          %dma_wait3A_122 = tpu.memref_slice %arg11[%add3A_89, %dma_wait3A_121] : memref<32x64xi32, #tpu.memory_space<vmem>> -> memref<1x64xi32, #tpu.memory_space<vmem>>
          %dma_wait3A_123 = tpu.memref_squeeze %dma_wait3A_122 : memref<1x64xi32, #tpu.memory_space<vmem>> -> memref<64xi32, #tpu.memory_space<vmem>>
          %dma_wait3A_124 = arith.constant 0 : i32
          %dma_wait3A_125 = tpu.memref_slice %arg19[%dma_wait3A_124] : memref<10016xf32, #tpu.memory_space<vmem_shared>> -> memref<10016xf32, #tpu.memory_space<vmem_shared>>
          tpu.wait_indirect_dma semaphore(%run_scoped3A : memref<!tpu.dma_semaphore, #tpu.memory_space<semaphore_mem>>) src(%arg16 : memref<64xf32, #tpu.memory_space<vmem>>) dst(%dma_wait3A_125 : memref<10016xf32, #tpu.memory_space<vmem_shared>>)
          tpu.yield
        }) : () -> ()
        %lt3A_96 = arith.constant 7 : i32
        %lt3A_97 = arith.cmpi slt, %scan3A_56, %lt3A_96 : i32
        %convert_element_type3A_98 = arith.extui %lt3A_97 : i1 to i32
        %cond3A_99 = arith.constant 0 : i32
        %cond3A_100 = arith.cmpi ne, %convert_element_type3A_98, %cond3A_99 : i32
        scf.if %cond3A_100 {
          %add3A_116 = arith.constant 4 : i32
          %add3A_117 = arith.addi %add3A_89, %add3A_116 : i32
          %dma_start3A_118 = arith.constant 0 : i32
          %dma_start3A_119 = tpu.memref_slice %arg10[%add3A_117, %dma_start3A_118] : memref<32x64xi32, #tpu.memory_space<vmem>> -> memref<1x64xi32, #tpu.memory_space<vmem>>
          %dma_start3A_120 = tpu.memref_squeeze %dma_start3A_119 : memref<1x64xi32, #tpu.memory_space<vmem>> -> memref<64xi32, #tpu.memory_space<vmem>>
          %dma_start3A_121 = arith.constant 0 : i32
          %dma_start3A_122 = arith.constant 0 : i32
          %dma_start3A_123 = tpu.memref_slice %arg2[%dma_start3A_121, %dma_start3A_122] : memref<20000x128xf32, #tpu.memory_space<hbm>> -> memref<20000x128xf32, #tpu.memory_space<hbm>>
          tpu.enqueue_indirect_dma source(%dma_start3A_123 : memref<20000x128xf32, #tpu.memory_space<hbm>>) target(%arg14 : memref<64x128xf32, #tpu.memory_space<vmem>>) offsets(%dma_start3A_120 : memref<64xi32, #tpu.memory_space<vmem>>) semaphore(%arg22 : memref<!tpu.dma_semaphore, #tpu.memory_space<semaphore_mem>>)
        } else {
        }
        %mul3A_101 = arith.constant 4 : i32
        %mul3A_102 = arith.muli %scan3A_56, %mul3A_101 : i32
        %add3A_103 = arith.constant 3 : i32
        %add3A_104 = arith.addi %mul3A_102, %add3A_103 : i32
        %dma_wait3A_105 = arith.constant 0 : i32
        %dma_wait3A_106 = tpu.memref_slice %arg10[%add3A_104, %dma_wait3A_105] : memref<32x64xi32, #tpu.memory_space<vmem>> -> memref<1x64xi32, #tpu.memory_space<vmem>>
        %dma_wait3A_107 = tpu.memref_squeeze %dma_wait3A_106 : memref<1x64xi32, #tpu.memory_space<vmem>> -> memref<64xi32, #tpu.memory_space<vmem>>
        %dma_wait3A_108 = arith.constant 0 : i32
        %dma_wait3A_109 = arith.constant 0 : i32
        %dma_wait3A_110 = tpu.memref_slice %arg2[%dma_wait3A_108, %dma_wait3A_109] : memref<20000x128xf32, #tpu.memory_space<hbm>> -> memref<20000x128xf32, #tpu.memory_space<hbm>>
        tpu.wait_indirect_dma semaphore(%arg23 : memref<!tpu.dma_semaphore, #tpu.memory_space<semaphore_mem>>) src(%dma_wait3A_110 : memref<20000x128xf32, #tpu.memory_space<hbm>>) dst(%arg15 : memref<64x128xf32, #tpu.memory_space<vmem>>)
        "tpu.region"() ({
          %run_scoped3A = tpu.sem_alloc : memref<!tpu.dma_semaphore, #tpu.memory_space<semaphore_mem>>
          %dma_start3A_116 = arith.constant 0 : i32
          %dma_start3A_117 = tpu.memref_slice %arg11[%add3A_104, %dma_start3A_116] : memref<32x64xi32, #tpu.memory_space<vmem>> -> memref<1x64xi32, #tpu.memory_space<vmem>>
          %dma_start3A_118 = tpu.memref_squeeze %dma_start3A_117 : memref<1x64xi32, #tpu.memory_space<vmem>> -> memref<64xi32, #tpu.memory_space<vmem>>
          %dma_start3A_119 = arith.constant 0 : i32
          %dma_start3A_120 = arith.constant 0 : i32
          %dma_start3A_121 = tpu.memref_slice %arg18[%dma_start3A_119, %dma_start3A_120] : memref<10016x128xf32, #tpu.memory_space<vmem_shared>> -> memref<10016x128xf32, #tpu.memory_space<vmem_shared>>
          tpu.enqueue_indirect_dma source(%arg15 : memref<64x128xf32, #tpu.memory_space<vmem>>) target(%dma_start3A_121 : memref<10016x128xf32, #tpu.memory_space<vmem_shared>>) offsets(%dma_start3A_118 : memref<64xi32, #tpu.memory_space<vmem>>) semaphore(%run_scoped3A : memref<!tpu.dma_semaphore, #tpu.memory_space<semaphore_mem>>) {add = true}
          %dma_wait3A_122 = arith.constant 0 : i32
          %dma_wait3A_123 = tpu.memref_slice %arg11[%add3A_104, %dma_wait3A_122] : memref<32x64xi32, #tpu.memory_space<vmem>> -> memref<1x64xi32, #tpu.memory_space<vmem>>
          %dma_wait3A_124 = tpu.memref_squeeze %dma_wait3A_123 : memref<1x64xi32, #tpu.memory_space<vmem>> -> memref<64xi32, #tpu.memory_space<vmem>>
          %dma_wait3A_125 = arith.constant 0 : i32
          %dma_wait3A_126 = arith.constant 0 : i32
          %dma_wait3A_127 = tpu.memref_slice %arg18[%dma_wait3A_125, %dma_wait3A_126] : memref<10016x128xf32, #tpu.memory_space<vmem_shared>> -> memref<10016x128xf32, #tpu.memory_space<vmem_shared>>
          tpu.wait_indirect_dma semaphore(%run_scoped3A : memref<!tpu.dma_semaphore, #tpu.memory_space<semaphore_mem>>) src(%arg15 : memref<64x128xf32, #tpu.memory_space<vmem>>) dst(%dma_wait3A_127 : memref<10016x128xf32, #tpu.memory_space<vmem_shared>>)
          tpu.yield
        }) : () -> ()
        "tpu.region"() ({
          %run_scoped3A = tpu.sem_alloc : memref<!tpu.dma_semaphore, #tpu.memory_space<semaphore_mem>>
          %dma_start3A_116 = arith.constant 0 : i32
          %dma_start3A_117 = tpu.memref_slice %arg11[%add3A_104, %dma_start3A_116] : memref<32x64xi32, #tpu.memory_space<vmem>> -> memref<1x64xi32, #tpu.memory_space<vmem>>
          %dma_start3A_118 = tpu.memref_squeeze %dma_start3A_117 : memref<1x64xi32, #tpu.memory_space<vmem>> -> memref<64xi32, #tpu.memory_space<vmem>>
          %dma_start3A_119 = arith.constant 0 : i32
          %dma_start3A_120 = tpu.memref_slice %arg19[%dma_start3A_119] : memref<10016xf32, #tpu.memory_space<vmem_shared>> -> memref<10016xf32, #tpu.memory_space<vmem_shared>>
          tpu.enqueue_indirect_dma source(%arg16 : memref<64xf32, #tpu.memory_space<vmem>>) target(%dma_start3A_120 : memref<10016xf32, #tpu.memory_space<vmem_shared>>) offsets(%dma_start3A_118 : memref<64xi32, #tpu.memory_space<vmem>>) semaphore(%run_scoped3A : memref<!tpu.dma_semaphore, #tpu.memory_space<semaphore_mem>>) {add = true}
          %dma_wait3A_121 = arith.constant 0 : i32
          %dma_wait3A_122 = tpu.memref_slice %arg11[%add3A_104, %dma_wait3A_121] : memref<32x64xi32, #tpu.memory_space<vmem>> -> memref<1x64xi32, #tpu.memory_space<vmem>>
          %dma_wait3A_123 = tpu.memref_squeeze %dma_wait3A_122 : memref<1x64xi32, #tpu.memory_space<vmem>> -> memref<64xi32, #tpu.memory_space<vmem>>
          %dma_wait3A_124 = arith.constant 0 : i32
          %dma_wait3A_125 = tpu.memref_slice %arg19[%dma_wait3A_124] : memref<10016xf32, #tpu.memory_space<vmem_shared>> -> memref<10016xf32, #tpu.memory_space<vmem_shared>>
          tpu.wait_indirect_dma semaphore(%run_scoped3A : memref<!tpu.dma_semaphore, #tpu.memory_space<semaphore_mem>>) src(%arg16 : memref<64xf32, #tpu.memory_space<vmem>>) dst(%dma_wait3A_125 : memref<10016xf32, #tpu.memory_space<vmem_shared>>)
          tpu.yield
        }) : () -> ()
        %lt3A_111 = arith.constant 7 : i32
        %lt3A_112 = arith.cmpi slt, %scan3A_56, %lt3A_111 : i32
        %convert_element_type3A_113 = arith.extui %lt3A_112 : i1 to i32
        %cond3A_114 = arith.constant 0 : i32
        %cond3A_115 = arith.cmpi ne, %convert_element_type3A_113, %cond3A_114 : i32
        scf.if %cond3A_115 {
          %add3A_116 = arith.constant 4 : i32
          %add3A_117 = arith.addi %add3A_104, %add3A_116 : i32
          %dma_start3A_118 = arith.constant 0 : i32
          %dma_start3A_119 = tpu.memref_slice %arg10[%add3A_117, %dma_start3A_118] : memref<32x64xi32, #tpu.memory_space<vmem>> -> memref<1x64xi32, #tpu.memory_space<vmem>>
          %dma_start3A_120 = tpu.memref_squeeze %dma_start3A_119 : memref<1x64xi32, #tpu.memory_space<vmem>> -> memref<64xi32, #tpu.memory_space<vmem>>
          %dma_start3A_121 = arith.constant 0 : i32
          %dma_start3A_122 = arith.constant 0 : i32
          %dma_start3A_123 = tpu.memref_slice %arg2[%dma_start3A_121, %dma_start3A_122] : memref<20000x128xf32, #tpu.memory_space<hbm>> -> memref<20000x128xf32, #tpu.memory_space<hbm>>
          tpu.enqueue_indirect_dma source(%dma_start3A_123 : memref<20000x128xf32, #tpu.memory_space<hbm>>) target(%arg15 : memref<64x128xf32, #tpu.memory_space<vmem>>) offsets(%dma_start3A_120 : memref<64xi32, #tpu.memory_space<vmem>>) semaphore(%arg23 : memref<!tpu.dma_semaphore, #tpu.memory_space<semaphore_mem>>)
        } else {
        }
      }
      %scan3A_55 = arith.constant 8 : i32
    }
    %scan3A_9 = arith.constant 10 : i32
    %barrier3A_10 = arith.constant 0 : index
    tpu.barrier barrier_id(%barrier3A_10)
    %lt3A_11 = arith.constant 10 : i32
    %lt3A_12 = arith.cmpi slt, %arg1, %lt3A_11 : i32
    %convert_element_type3A_13 = arith.extui %lt3A_12 : i1 to i32
    %cond3A_14 = arith.constant 0 : i32
    %cond3A_15 = arith.cmpi ne, %convert_element_type3A_13, %cond3A_14 : i32
    scf.if %cond3A_15 {
      %mul3A_16 = arith.constant 1000 : i32
      %mul3A_17 = arith.muli %arg1, %mul3A_16 : i32
      %mul3A_18 = arith.constant 10000 : i32
      %mul3A_19 = arith.muli %arg0, %mul3A_18 : i32
      %mul3A_20 = arith.constant 1000 : i32
      %mul3A_21 = arith.muli %arg1, %mul3A_20 : i32
      %add3A_22 = arith.addi %mul3A_19, %mul3A_21 : i32
      "tpu.region"() ({
        %run_scoped3A = tpu.sem_alloc : memref<!tpu.dma_semaphore, #tpu.memory_space<semaphore_mem>>
        %dma_start3A = arith.constant 0 : i32
        %dma_start3A_30 = tpu.memref_slice %arg8[%add3A_22, %dma_start3A] : memref<20000x128xf32, #tpu.memory_space<hbm>> -> memref<1000x128xf32, #tpu.memory_space<hbm>>
        %dma_start3A_31 = arith.constant 0 : i32
        %dma_start3A_32 = tpu.memref_slice %arg18[%mul3A_17, %dma_start3A_31] : memref<10016x128xf32, #tpu.memory_space<vmem_shared>> -> memref<1000x128xf32, #tpu.memory_space<vmem_shared>>
        tpu.enqueue_dma source(%dma_start3A_32 : memref<1000x128xf32, #tpu.memory_space<vmem_shared>>) target(%dma_start3A_30 : memref<1000x128xf32, #tpu.memory_space<hbm>>) target_semaphore(%run_scoped3A : memref<!tpu.dma_semaphore, #tpu.memory_space<semaphore_mem>>)
        %dma_wait3A = arith.constant 0 : i32
        %dma_wait3A_33 = tpu.memref_slice %arg8[%add3A_22, %dma_wait3A] : memref<20000x128xf32, #tpu.memory_space<hbm>> -> memref<1000x128xf32, #tpu.memory_space<hbm>>
        %dma_wait3A_34 = arith.constant 0 : i32
        %dma_wait3A_35 = tpu.memref_slice %arg18[%mul3A_17, %dma_wait3A_34] : memref<10016x128xf32, #tpu.memory_space<vmem_shared>> -> memref<1000x128xf32, #tpu.memory_space<vmem_shared>>
        tpu.wait_dma2 semaphore(%run_scoped3A : memref<!tpu.dma_semaphore, #tpu.memory_space<semaphore_mem>>) src(%dma_wait3A_35 : memref<1000x128xf32, #tpu.memory_space<vmem_shared>>) dst(%dma_wait3A_33 : memref<1000x128xf32, #tpu.memory_space<hbm>>)
        tpu.yield
      }) : () -> ()
      %mul3A_23 = arith.constant 1000 : i32
      %mul3A_24 = arith.muli %arg1, %mul3A_23 : i32
      "tpu.region"() ({
        %run_scoped3A = tpu.sem_alloc : memref<!tpu.dma_semaphore, #tpu.memory_space<semaphore_mem>>
        %dma_start3A = tpu.memref_slice %arg19[%mul3A_24] : memref<10016xf32, #tpu.memory_space<vmem_shared>> -> memref<1000xf32, #tpu.memory_space<vmem_shared>>
        %dma_start3A_30 = tpu.memref_slice %arg19[%mul3A_24] : memref<10016xf32, #tpu.memory_space<vmem_shared>> -> memref<1000xf32, #tpu.memory_space<vmem_shared>>
        tpu.enqueue_dma source(%dma_start3A_30 : memref<1000xf32, #tpu.memory_space<vmem_shared>>) target(%arg17 : memref<1000xf32, #tpu.memory_space<vmem>>) target_semaphore(%run_scoped3A : memref<!tpu.dma_semaphore, #tpu.memory_space<semaphore_mem>>)
        %dma_wait3A = tpu.memref_slice %arg19[%mul3A_24] : memref<10016xf32, #tpu.memory_space<vmem_shared>> -> memref<1000xf32, #tpu.memory_space<vmem_shared>>
        %dma_wait3A_31 = tpu.memref_slice %arg19[%mul3A_24] : memref<10016xf32, #tpu.memory_space<vmem_shared>> -> memref<1000xf32, #tpu.memory_space<vmem_shared>>
        tpu.wait_dma2 semaphore(%run_scoped3A : memref<!tpu.dma_semaphore, #tpu.memory_space<semaphore_mem>>) src(%dma_wait3A_31 : memref<1000xf32, #tpu.memory_space<vmem_shared>>) dst(%arg17 : memref<1000xf32, #tpu.memory_space<vmem>>)
        tpu.yield
      }) : () -> ()
      %mul3A_25 = arith.constant 10000 : i32
      %mul3A_26 = arith.muli %arg0, %mul3A_25 : i32
      %mul3A_27 = arith.constant 1000 : i32
      %mul3A_28 = arith.muli %arg1, %mul3A_27 : i32
      %add3A_29 = arith.addi %mul3A_26, %mul3A_28 : i32
      "tpu.region"() ({
        %run_scoped3A = tpu.sem_alloc : memref<!tpu.dma_semaphore, #tpu.memory_space<semaphore_mem>>
        %dma_start3A = tpu.memref_slice %arg9[%add3A_29] : memref<20000xf32, #tpu.memory_space<hbm>> -> memref<1000xf32, #tpu.memory_space<hbm>>
        %dma_start3A_30 = tpu.memref_slice %arg9[%add3A_29] : memref<20000xf32, #tpu.memory_space<hbm>> -> memref<1000xf32, #tpu.memory_space<hbm>>
        tpu.enqueue_dma source(%arg17 : memref<1000xf32, #tpu.memory_space<vmem>>) target(%dma_start3A_30 : memref<1000xf32, #tpu.memory_space<hbm>>) target_semaphore(%run_scoped3A : memref<!tpu.dma_semaphore, #tpu.memory_space<semaphore_mem>>)
        %dma_wait3A = tpu.memref_slice %arg9[%add3A_29] : memref<20000xf32, #tpu.memory_space<hbm>> -> memref<1000xf32, #tpu.memory_space<hbm>>
        %dma_wait3A_31 = tpu.memref_slice %arg9[%add3A_29] : memref<20000xf32, #tpu.memory_space<hbm>> -> memref<1000xf32, #tpu.memory_space<hbm>>
        tpu.wait_dma2 semaphore(%run_scoped3A : memref<!tpu.dma_semaphore, #tpu.memory_space<semaphore_mem>>) src(%arg17 : memref<1000xf32, #tpu.memory_space<vmem>>) dst(%dma_wait3A_31 : memref<1000xf32, #tpu.memory_space<hbm>>)
        tpu.yield
      }) : () -> ()
    } else {
    }
    return
  }
}

#map = affine_map<(d0, d1) -> (0, 0)>
#map1 = affine_map<(d0, d1) -> (0)>
module attributes {stable_mosaic.version = 14 : i64} {
  func.func @_gather_body(%arg0: i32, %arg1: i32, %arg2: memref<20000x128xf32, #tpu.memory_space<hbm>>, %arg3: memref<32768xi32, #tpu.memory_space<hbm>>, %arg4: memref<32768x128xf32, #tpu.memory_space<hbm>>, %arg5: memref<128xi32, #tpu.memory_space<vmem>>, %arg6: memref<128x128xf32, #tpu.memory_space<vmem>>, %arg7: memref<!tpu.dma_semaphore, #tpu.memory_space<semaphore_mem>>) attributes {dimension_semantics = [#tpu.dimension_semantics<core_parallel>, #tpu.dimension_semantics<subcore_parallel>], iteration_bounds = array<i64: 2, 16>, scalar_prefetch = 0 : i64, scratch_operands = 3 : i64, tpu.core_type = #tpu.core_type<sc_vector_subcore>, window_params = [{transform_indices = #map}, {transform_indices = #map1}, {transform_indices = #map}]} {
    %mul3A = arith.constant 2 : i32
    %mul3A_0 = arith.muli %arg1, %mul3A : i32
    %add3A = arith.addi %mul3A_0, %arg0 : i32
    %scan3A = arith.constant 0 : i32
    %scan3A_1 = arith.constant 0 : i32
    %scan3A_2 = arith.constant 8 : i32
    %scan3A_3 = arith.addi %scan3A_1, %scan3A_2 : i32
    %scan3A_4 = arith.constant 1 : i32
    scf.for %scan3A_6 = %scan3A_1 to %scan3A_3 step %scan3A_4  : i32 {
      %mul3A_7 = arith.constant 1024 : i32
      %mul3A_8 = arith.muli %add3A, %mul3A_7 : i32
      %mul3A_9 = arith.constant 128 : i32
      %mul3A_10 = arith.muli %scan3A_6, %mul3A_9 : i32
      %add3A_11 = arith.addi %mul3A_8, %mul3A_10 : i32
      "tpu.region"() ({
        %run_scoped3A = tpu.sem_alloc : memref<!tpu.dma_semaphore, #tpu.memory_space<semaphore_mem>>
        %dma_start3A_16 = tpu.memref_slice %arg3[%add3A_11] : memref<32768xi32, #tpu.memory_space<hbm>> -> memref<128xi32, #tpu.memory_space<hbm>>
        %dma_start3A_17 = tpu.memref_slice %arg3[%add3A_11] : memref<32768xi32, #tpu.memory_space<hbm>> -> memref<128xi32, #tpu.memory_space<hbm>>
        tpu.enqueue_dma source(%dma_start3A_17 : memref<128xi32, #tpu.memory_space<hbm>>) target(%arg5 : memref<128xi32, #tpu.memory_space<vmem>>) target_semaphore(%run_scoped3A : memref<!tpu.dma_semaphore, #tpu.memory_space<semaphore_mem>>)
        %dma_wait3A_18 = tpu.memref_slice %arg3[%add3A_11] : memref<32768xi32, #tpu.memory_space<hbm>> -> memref<128xi32, #tpu.memory_space<hbm>>
        %dma_wait3A_19 = tpu.memref_slice %arg3[%add3A_11] : memref<32768xi32, #tpu.memory_space<hbm>> -> memref<128xi32, #tpu.memory_space<hbm>>
        tpu.wait_dma2 semaphore(%run_scoped3A : memref<!tpu.dma_semaphore, #tpu.memory_space<semaphore_mem>>) src(%dma_wait3A_19 : memref<128xi32, #tpu.memory_space<hbm>>) dst(%arg5 : memref<128xi32, #tpu.memory_space<vmem>>)
        tpu.yield
      }) : () -> ()
      %dma_start3A = arith.constant 0 : i32
      %dma_start3A_12 = arith.constant 0 : i32
      %dma_start3A_13 = tpu.memref_slice %arg2[%dma_start3A, %dma_start3A_12] : memref<20000x128xf32, #tpu.memory_space<hbm>> -> memref<20000x128xf32, #tpu.memory_space<hbm>>
      tpu.enqueue_indirect_dma source(%dma_start3A_13 : memref<20000x128xf32, #tpu.memory_space<hbm>>) target(%arg6 : memref<128x128xf32, #tpu.memory_space<vmem>>) offsets(%arg5 : memref<128xi32, #tpu.memory_space<vmem>>) semaphore(%arg7 : memref<!tpu.dma_semaphore, #tpu.memory_space<semaphore_mem>>)
      %dma_wait3A = arith.constant 0 : i32
      %dma_wait3A_14 = arith.constant 0 : i32
      %dma_wait3A_15 = tpu.memref_slice %arg2[%dma_wait3A, %dma_wait3A_14] : memref<20000x128xf32, #tpu.memory_space<hbm>> -> memref<20000x128xf32, #tpu.memory_space<hbm>>
      tpu.wait_indirect_dma semaphore(%arg7 : memref<!tpu.dma_semaphore, #tpu.memory_space<semaphore_mem>>) src(%dma_wait3A_15 : memref<20000x128xf32, #tpu.memory_space<hbm>>) dst(%arg6 : memref<128x128xf32, #tpu.memory_space<vmem>>)
      "tpu.region"() ({
        %run_scoped3A = tpu.sem_alloc : memref<!tpu.dma_semaphore, #tpu.memory_space<semaphore_mem>>
        %dma_start3A_16 = arith.constant 0 : i32
        %dma_start3A_17 = tpu.memref_slice %arg4[%add3A_11, %dma_start3A_16] : memref<32768x128xf32, #tpu.memory_space<hbm>> -> memref<128x128xf32, #tpu.memory_space<hbm>>
        %dma_start3A_18 = arith.constant 0 : i32
        %dma_start3A_19 = tpu.memref_slice %arg4[%add3A_11, %dma_start3A_18] : memref<32768x128xf32, #tpu.memory_space<hbm>> -> memref<128x128xf32, #tpu.memory_space<hbm>>
        tpu.enqueue_dma source(%arg6 : memref<128x128xf32, #tpu.memory_space<vmem>>) target(%dma_start3A_19 : memref<128x128xf32, #tpu.memory_space<hbm>>) target_semaphore(%run_scoped3A : memref<!tpu.dma_semaphore, #tpu.memory_space<semaphore_mem>>)
        %dma_wait3A_20 = arith.constant 0 : i32
        %dma_wait3A_21 = tpu.memref_slice %arg4[%add3A_11, %dma_wait3A_20] : memref<32768x128xf32, #tpu.memory_space<hbm>> -> memref<128x128xf32, #tpu.memory_space<hbm>>
        %dma_wait3A_22 = arith.constant 0 : i32
        %dma_wait3A_23 = tpu.memref_slice %arg4[%add3A_11, %dma_wait3A_22] : memref<32768x128xf32, #tpu.memory_space<hbm>> -> memref<128x128xf32, #tpu.memory_space<hbm>>
        tpu.wait_dma2 semaphore(%run_scoped3A : memref<!tpu.dma_semaphore, #tpu.memory_space<semaphore_mem>>) src(%arg6 : memref<128x128xf32, #tpu.memory_space<vmem>>) dst(%dma_wait3A_23 : memref<128x128xf32, #tpu.memory_space<hbm>>)
        tpu.yield
      }) : () -> ()
    }
    %scan3A_5 = arith.constant 8 : i32
    return
  }
}

#map = affine_map<(d0, d1) -> (0, 0)>
module attributes {stable_mosaic.version = 14 : i64} {
  func.func @_msg_body(%arg0: i32, %arg1: i32, %arg2: memref<20000x128xf32, #tpu.memory_space<hbm>>, %arg3: memref<10240x64xi32, #tpu.memory_space<hbm>>, %arg4: memref<10240x64xi32, #tpu.memory_space<hbm>>, %arg5: memref<10000x128xf32, #tpu.memory_space<hbm>>, %arg6: memref<20000x128xf32, #tpu.memory_space<hbm>>, %arg7: memref<32x64xi32, #tpu.memory_space<vmem>>, %arg8: memref<32x64xi32, #tpu.memory_space<vmem>>, %arg9: memref<64x128xf32, #tpu.memory_space<vmem>>, %arg10: memref<64x128xf32, #tpu.memory_space<vmem>>, %arg11: memref<64x128xf32, #tpu.memory_space<vmem>>, %arg12: memref<64x128xf32, #tpu.memory_space<vmem>>, %arg13: memref<10016x128xf32, #tpu.memory_space<vmem_shared>>, %arg14: memref<!tpu.dma_semaphore, #tpu.memory_space<semaphore_mem>>, %arg15: memref<!tpu.dma_semaphore, #tpu.memory_space<semaphore_mem>>, %arg16: memref<!tpu.dma_semaphore, #tpu.memory_space<semaphore_mem>>, %arg17: memref<!tpu.dma_semaphore, #tpu.memory_space<semaphore_mem>>) attributes {dimension_semantics = [#tpu.dimension_semantics<core_parallel>, #tpu.dimension_semantics<subcore_parallel>], iteration_bounds = array<i64: 2, 16>, scalar_prefetch = 0 : i64, scratch_operands = 11 : i64, tpu.core_type = #tpu.core_type<sc_vector_subcore>, window_params = [{transform_indices = #map}, {transform_indices = #map}, {transform_indices = #map}, {transform_indices = #map}, {transform_indices = #map}]} {
    %mul3A = arith.constant 5120 : i32
    %mul3A_0 = arith.muli %arg0, %mul3A : i32
    %mul3A_1 = arith.constant 320 : i32
    %mul3A_2 = arith.muli %arg1, %mul3A_1 : i32
    %add3A = arith.addi %mul3A_0, %mul3A_2 : i32
    %lt3A = arith.constant 10 : i32
    %lt3A_3 = arith.cmpi slt, %arg1, %lt3A : i32
    %convert_element_type3A = arith.extui %lt3A_3 : i1 to i32
    %cond3A = arith.constant 0 : i32
    %cond3A_4 = arith.cmpi ne, %convert_element_type3A, %cond3A : i32
    scf.if %cond3A_4 {
      %mul3A_16 = arith.constant 1000 : i32
      %mul3A_17 = arith.muli %arg1, %mul3A_16 : i32
      %mul3A_18 = arith.constant 1000 : i32
      %mul3A_19 = arith.muli %arg1, %mul3A_18 : i32
      "tpu.region"() ({
        %run_scoped3A = tpu.sem_alloc : memref<!tpu.dma_semaphore, #tpu.memory_space<semaphore_mem>>
        %dma_start3A = arith.constant 0 : i32
        %dma_start3A_20 = tpu.memref_slice %arg13[%mul3A_19, %dma_start3A] : memref<10016x128xf32, #tpu.memory_space<vmem_shared>> -> memref<1000x128xf32, #tpu.memory_space<vmem_shared>>
        %dma_start3A_21 = arith.constant 0 : i32
        %dma_start3A_22 = tpu.memref_slice %arg5[%mul3A_17, %dma_start3A_21] : memref<10000x128xf32, #tpu.memory_space<hbm>> -> memref<1000x128xf32, #tpu.memory_space<hbm>>
        tpu.enqueue_dma source(%dma_start3A_22 : memref<1000x128xf32, #tpu.memory_space<hbm>>) target(%dma_start3A_20 : memref<1000x128xf32, #tpu.memory_space<vmem_shared>>) target_semaphore(%run_scoped3A : memref<!tpu.dma_semaphore, #tpu.memory_space<semaphore_mem>>)
        %dma_wait3A = arith.constant 0 : i32
        %dma_wait3A_23 = tpu.memref_slice %arg13[%mul3A_19, %dma_wait3A] : memref<10016x128xf32, #tpu.memory_space<vmem_shared>> -> memref<1000x128xf32, #tpu.memory_space<vmem_shared>>
        %dma_wait3A_24 = arith.constant 0 : i32
        %dma_wait3A_25 = tpu.memref_slice %arg5[%mul3A_17, %dma_wait3A_24] : memref<10000x128xf32, #tpu.memory_space<hbm>> -> memref<1000x128xf32, #tpu.memory_space<hbm>>
        tpu.wait_dma2 semaphore(%run_scoped3A : memref<!tpu.dma_semaphore, #tpu.memory_space<semaphore_mem>>) src(%dma_wait3A_25 : memref<1000x128xf32, #tpu.memory_space<hbm>>) dst(%dma_wait3A_23 : memref<1000x128xf32, #tpu.memory_space<vmem_shared>>)
        tpu.yield
      }) : () -> ()
    } else {
    }
    %barrier3A = arith.constant 0 : index
    tpu.barrier barrier_id(%barrier3A)
    %scan3A = arith.constant 0 : i32
    %scan3A_5 = arith.constant 0 : i32
    %scan3A_6 = arith.constant 10 : i32
    %scan3A_7 = arith.addi %scan3A_5, %scan3A_6 : i32
    %scan3A_8 = arith.constant 1 : i32
    scf.for %scan3A_16 = %scan3A_5 to %scan3A_7 step %scan3A_8  : i32 {
      %mul3A_17 = arith.constant 32 : i32
      %mul3A_18 = arith.muli %scan3A_16, %mul3A_17 : i32
      %add3A_19 = arith.addi %add3A, %mul3A_18 : i32
      "tpu.region"() ({
        %run_scoped3A = tpu.sem_alloc : memref<!tpu.dma_semaphore, #tpu.memory_space<semaphore_mem>>
        %dma_start3A_56 = arith.constant 0 : i32
        %dma_start3A_57 = tpu.memref_slice %arg3[%add3A_19, %dma_start3A_56] : memref<10240x64xi32, #tpu.memory_space<hbm>> -> memref<32x64xi32, #tpu.memory_space<hbm>>
        %dma_start3A_58 = arith.constant 0 : i32
        %dma_start3A_59 = tpu.memref_slice %arg3[%add3A_19, %dma_start3A_58] : memref<10240x64xi32, #tpu.memory_space<hbm>> -> memref<32x64xi32, #tpu.memory_space<hbm>>
        tpu.enqueue_dma source(%dma_start3A_59 : memref<32x64xi32, #tpu.memory_space<hbm>>) target(%arg7 : memref<32x64xi32, #tpu.memory_space<vmem>>) target_semaphore(%run_scoped3A : memref<!tpu.dma_semaphore, #tpu.memory_space<semaphore_mem>>)
        %dma_wait3A = arith.constant 0 : i32
        %dma_wait3A_60 = tpu.memref_slice %arg3[%add3A_19, %dma_wait3A] : memref<10240x64xi32, #tpu.memory_space<hbm>> -> memref<32x64xi32, #tpu.memory_space<hbm>>
        %dma_wait3A_61 = arith.constant 0 : i32
        %dma_wait3A_62 = tpu.memref_slice %arg3[%add3A_19, %dma_wait3A_61] : memref<10240x64xi32, #tpu.memory_space<hbm>> -> memref<32x64xi32, #tpu.memory_space<hbm>>
        tpu.wait_dma2 semaphore(%run_scoped3A : memref<!tpu.dma_semaphore, #tpu.memory_space<semaphore_mem>>) src(%dma_wait3A_62 : memref<32x64xi32, #tpu.memory_space<hbm>>) dst(%arg7 : memref<32x64xi32, #tpu.memory_space<vmem>>)
        tpu.yield
      }) : () -> ()
      %mul3A_20 = arith.constant 32 : i32
      %mul3A_21 = arith.muli %scan3A_16, %mul3A_20 : i32
      %add3A_22 = arith.addi %add3A, %mul3A_21 : i32
      "tpu.region"() ({
        %run_scoped3A = tpu.sem_alloc : memref<!tpu.dma_semaphore, #tpu.memory_space<semaphore_mem>>
        %dma_start3A_56 = arith.constant 0 : i32
        %dma_start3A_57 = tpu.memref_slice %arg4[%add3A_22, %dma_start3A_56] : memref<10240x64xi32, #tpu.memory_space<hbm>> -> memref<32x64xi32, #tpu.memory_space<hbm>>
        %dma_start3A_58 = arith.constant 0 : i32
        %dma_start3A_59 = tpu.memref_slice %arg4[%add3A_22, %dma_start3A_58] : memref<10240x64xi32, #tpu.memory_space<hbm>> -> memref<32x64xi32, #tpu.memory_space<hbm>>
        tpu.enqueue_dma source(%dma_start3A_59 : memref<32x64xi32, #tpu.memory_space<hbm>>) target(%arg8 : memref<32x64xi32, #tpu.memory_space<vmem>>) target_semaphore(%run_scoped3A : memref<!tpu.dma_semaphore, #tpu.memory_space<semaphore_mem>>)
        %dma_wait3A = arith.constant 0 : i32
        %dma_wait3A_60 = tpu.memref_slice %arg4[%add3A_22, %dma_wait3A] : memref<10240x64xi32, #tpu.memory_space<hbm>> -> memref<32x64xi32, #tpu.memory_space<hbm>>
        %dma_wait3A_61 = arith.constant 0 : i32
        %dma_wait3A_62 = tpu.memref_slice %arg4[%add3A_22, %dma_wait3A_61] : memref<10240x64xi32, #tpu.memory_space<hbm>> -> memref<32x64xi32, #tpu.memory_space<hbm>>
        tpu.wait_dma2 semaphore(%run_scoped3A : memref<!tpu.dma_semaphore, #tpu.memory_space<semaphore_mem>>) src(%dma_wait3A_62 : memref<32x64xi32, #tpu.memory_space<hbm>>) dst(%arg8 : memref<32x64xi32, #tpu.memory_space<vmem>>)
        tpu.yield
      }) : () -> ()
      %dma_start3A = arith.constant 0 : i32
      %dma_start3A_23 = arith.constant 0 : i32
      %dma_start3A_24 = tpu.memref_slice %arg7[%dma_start3A, %dma_start3A_23] : memref<32x64xi32, #tpu.memory_space<vmem>> -> memref<1x64xi32, #tpu.memory_space<vmem>>
      %dma_start3A_25 = tpu.memref_squeeze %dma_start3A_24 : memref<1x64xi32, #tpu.memory_space<vmem>> -> memref<64xi32, #tpu.memory_space<vmem>>
      %dma_start3A_26 = arith.constant 0 : i32
      %dma_start3A_27 = arith.constant 0 : i32
      %dma_start3A_28 = tpu.memref_slice %arg2[%dma_start3A_26, %dma_start3A_27] : memref<20000x128xf32, #tpu.memory_space<hbm>> -> memref<20000x128xf32, #tpu.memory_space<hbm>>
      tpu.enqueue_indirect_dma source(%dma_start3A_28 : memref<20000x128xf32, #tpu.memory_space<hbm>>) target(%arg9 : memref<64x128xf32, #tpu.memory_space<vmem>>) offsets(%dma_start3A_25 : memref<64xi32, #tpu.memory_space<vmem>>) semaphore(%arg14 : memref<!tpu.dma_semaphore, #tpu.memory_space<semaphore_mem>>)
      %dma_start3A_29 = arith.constant 1 : i32
      %dma_start3A_30 = arith.constant 0 : i32
      %dma_start3A_31 = tpu.memref_slice %arg7[%dma_start3A_29, %dma_start3A_30] : memref<32x64xi32, #tpu.memory_space<vmem>> -> memref<1x64xi32, #tpu.memory_space<vmem>>
      %dma_start3A_32 = tpu.memref_squeeze %dma_start3A_31 : memref<1x64xi32, #tpu.memory_space<vmem>> -> memref<64xi32, #tpu.memory_space<vmem>>
      %dma_start3A_33 = arith.constant 0 : i32
      %dma_start3A_34 = arith.constant 0 : i32
      %dma_start3A_35 = tpu.memref_slice %arg2[%dma_start3A_33, %dma_start3A_34] : memref<20000x128xf32, #tpu.memory_space<hbm>> -> memref<20000x128xf32, #tpu.memory_space<hbm>>
      tpu.enqueue_indirect_dma source(%dma_start3A_35 : memref<20000x128xf32, #tpu.memory_space<hbm>>) target(%arg10 : memref<64x128xf32, #tpu.memory_space<vmem>>) offsets(%dma_start3A_32 : memref<64xi32, #tpu.memory_space<vmem>>) semaphore(%arg15 : memref<!tpu.dma_semaphore, #tpu.memory_space<semaphore_mem>>)
      %dma_start3A_36 = arith.constant 2 : i32
      %dma_start3A_37 = arith.constant 0 : i32
      %dma_start3A_38 = tpu.memref_slice %arg7[%dma_start3A_36, %dma_start3A_37] : memref<32x64xi32, #tpu.memory_space<vmem>> -> memref<1x64xi32, #tpu.memory_space<vmem>>
      %dma_start3A_39 = tpu.memref_squeeze %dma_start3A_38 : memref<1x64xi32, #tpu.memory_space<vmem>> -> memref<64xi32, #tpu.memory_space<vmem>>
      %dma_start3A_40 = arith.constant 0 : i32
      %dma_start3A_41 = arith.constant 0 : i32
      %dma_start3A_42 = tpu.memref_slice %arg2[%dma_start3A_40, %dma_start3A_41] : memref<20000x128xf32, #tpu.memory_space<hbm>> -> memref<20000x128xf32, #tpu.memory_space<hbm>>
      tpu.enqueue_indirect_dma source(%dma_start3A_42 : memref<20000x128xf32, #tpu.memory_space<hbm>>) target(%arg11 : memref<64x128xf32, #tpu.memory_space<vmem>>) offsets(%dma_start3A_39 : memref<64xi32, #tpu.memory_space<vmem>>) semaphore(%arg16 : memref<!tpu.dma_semaphore, #tpu.memory_space<semaphore_mem>>)
      %dma_start3A_43 = arith.constant 3 : i32
      %dma_start3A_44 = arith.constant 0 : i32
      %dma_start3A_45 = tpu.memref_slice %arg7[%dma_start3A_43, %dma_start3A_44] : memref<32x64xi32, #tpu.memory_space<vmem>> -> memref<1x64xi32, #tpu.memory_space<vmem>>
      %dma_start3A_46 = tpu.memref_squeeze %dma_start3A_45 : memref<1x64xi32, #tpu.memory_space<vmem>> -> memref<64xi32, #tpu.memory_space<vmem>>
      %dma_start3A_47 = arith.constant 0 : i32
      %dma_start3A_48 = arith.constant 0 : i32
      %dma_start3A_49 = tpu.memref_slice %arg2[%dma_start3A_47, %dma_start3A_48] : memref<20000x128xf32, #tpu.memory_space<hbm>> -> memref<20000x128xf32, #tpu.memory_space<hbm>>
      tpu.enqueue_indirect_dma source(%dma_start3A_49 : memref<20000x128xf32, #tpu.memory_space<hbm>>) target(%arg12 : memref<64x128xf32, #tpu.memory_space<vmem>>) offsets(%dma_start3A_46 : memref<64xi32, #tpu.memory_space<vmem>>) semaphore(%arg17 : memref<!tpu.dma_semaphore, #tpu.memory_space<semaphore_mem>>)
      %scan3A_50 = arith.constant 0 : i32
      %scan3A_51 = arith.constant 0 : i32
      %scan3A_52 = arith.constant 8 : i32
      %scan3A_53 = arith.addi %scan3A_51, %scan3A_52 : i32
      %scan3A_54 = arith.constant 1 : i32
      scf.for %scan3A_56 = %scan3A_51 to %scan3A_53 step %scan3A_54  : i32 {
        %mul3A_57 = arith.constant 4 : i32
        %mul3A_58 = arith.muli %scan3A_56, %mul3A_57 : i32
        %add3A_59 = arith.constant 0 : i32
        %add3A_60 = arith.addi %mul3A_58, %add3A_59 : i32
        %dma_wait3A = arith.constant 0 : i32
        %dma_wait3A_61 = tpu.memref_slice %arg7[%add3A_60, %dma_wait3A] : memref<32x64xi32, #tpu.memory_space<vmem>> -> memref<1x64xi32, #tpu.memory_space<vmem>>
        %dma_wait3A_62 = tpu.memref_squeeze %dma_wait3A_61 : memref<1x64xi32, #tpu.memory_space<vmem>> -> memref<64xi32, #tpu.memory_space<vmem>>
        %dma_wait3A_63 = arith.constant 0 : i32
        %dma_wait3A_64 = arith.constant 0 : i32
        %dma_wait3A_65 = tpu.memref_slice %arg2[%dma_wait3A_63, %dma_wait3A_64] : memref<20000x128xf32, #tpu.memory_space<hbm>> -> memref<20000x128xf32, #tpu.memory_space<hbm>>
        tpu.wait_indirect_dma semaphore(%arg14 : memref<!tpu.dma_semaphore, #tpu.memory_space<semaphore_mem>>) src(%dma_wait3A_65 : memref<20000x128xf32, #tpu.memory_space<hbm>>) dst(%arg9 : memref<64x128xf32, #tpu.memory_space<vmem>>)
        "tpu.region"() ({
          %run_scoped3A = tpu.sem_alloc : memref<!tpu.dma_semaphore, #tpu.memory_space<semaphore_mem>>
          %dma_start3A_116 = arith.constant 0 : i32
          %dma_start3A_117 = tpu.memref_slice %arg8[%add3A_60, %dma_start3A_116] : memref<32x64xi32, #tpu.memory_space<vmem>> -> memref<1x64xi32, #tpu.memory_space<vmem>>
          %dma_start3A_118 = tpu.memref_squeeze %dma_start3A_117 : memref<1x64xi32, #tpu.memory_space<vmem>> -> memref<64xi32, #tpu.memory_space<vmem>>
          %dma_start3A_119 = arith.constant 0 : i32
          %dma_start3A_120 = arith.constant 0 : i32
          %dma_start3A_121 = tpu.memref_slice %arg13[%dma_start3A_119, %dma_start3A_120] : memref<10016x128xf32, #tpu.memory_space<vmem_shared>> -> memref<10016x128xf32, #tpu.memory_space<vmem_shared>>
          tpu.enqueue_indirect_dma source(%arg9 : memref<64x128xf32, #tpu.memory_space<vmem>>) target(%dma_start3A_121 : memref<10016x128xf32, #tpu.memory_space<vmem_shared>>) offsets(%dma_start3A_118 : memref<64xi32, #tpu.memory_space<vmem>>) semaphore(%run_scoped3A : memref<!tpu.dma_semaphore, #tpu.memory_space<semaphore_mem>>) {add = true}
          %dma_wait3A_122 = arith.constant 0 : i32
          %dma_wait3A_123 = tpu.memref_slice %arg8[%add3A_60, %dma_wait3A_122] : memref<32x64xi32, #tpu.memory_space<vmem>> -> memref<1x64xi32, #tpu.memory_space<vmem>>
          %dma_wait3A_124 = tpu.memref_squeeze %dma_wait3A_123 : memref<1x64xi32, #tpu.memory_space<vmem>> -> memref<64xi32, #tpu.memory_space<vmem>>
          %dma_wait3A_125 = arith.constant 0 : i32
          %dma_wait3A_126 = arith.constant 0 : i32
          %dma_wait3A_127 = tpu.memref_slice %arg13[%dma_wait3A_125, %dma_wait3A_126] : memref<10016x128xf32, #tpu.memory_space<vmem_shared>> -> memref<10016x128xf32, #tpu.memory_space<vmem_shared>>
          tpu.wait_indirect_dma semaphore(%run_scoped3A : memref<!tpu.dma_semaphore, #tpu.memory_space<semaphore_mem>>) src(%arg9 : memref<64x128xf32, #tpu.memory_space<vmem>>) dst(%dma_wait3A_127 : memref<10016x128xf32, #tpu.memory_space<vmem_shared>>)
          tpu.yield
        }) : () -> ()
        %lt3A_66 = arith.constant 7 : i32
        %lt3A_67 = arith.cmpi slt, %scan3A_56, %lt3A_66 : i32
        %convert_element_type3A_68 = arith.extui %lt3A_67 : i1 to i32
        %cond3A_69 = arith.constant 0 : i32
        %cond3A_70 = arith.cmpi ne, %convert_element_type3A_68, %cond3A_69 : i32
        scf.if %cond3A_70 {
          %add3A_116 = arith.constant 4 : i32
          %add3A_117 = arith.addi %add3A_60, %add3A_116 : i32
          %dma_start3A_118 = arith.constant 0 : i32
          %dma_start3A_119 = tpu.memref_slice %arg7[%add3A_117, %dma_start3A_118] : memref<32x64xi32, #tpu.memory_space<vmem>> -> memref<1x64xi32, #tpu.memory_space<vmem>>
          %dma_start3A_120 = tpu.memref_squeeze %dma_start3A_119 : memref<1x64xi32, #tpu.memory_space<vmem>> -> memref<64xi32, #tpu.memory_space<vmem>>
          %dma_start3A_121 = arith.constant 0 : i32
          %dma_start3A_122 = arith.constant 0 : i32
          %dma_start3A_123 = tpu.memref_slice %arg2[%dma_start3A_121, %dma_start3A_122] : memref<20000x128xf32, #tpu.memory_space<hbm>> -> memref<20000x128xf32, #tpu.memory_space<hbm>>
          tpu.enqueue_indirect_dma source(%dma_start3A_123 : memref<20000x128xf32, #tpu.memory_space<hbm>>) target(%arg9 : memref<64x128xf32, #tpu.memory_space<vmem>>) offsets(%dma_start3A_120 : memref<64xi32, #tpu.memory_space<vmem>>) semaphore(%arg14 : memref<!tpu.dma_semaphore, #tpu.memory_space<semaphore_mem>>)
        } else {
        }
        %mul3A_71 = arith.constant 4 : i32
        %mul3A_72 = arith.muli %scan3A_56, %mul3A_71 : i32
        %add3A_73 = arith.constant 1 : i32
        %add3A_74 = arith.addi %mul3A_72, %add3A_73 : i32
        %dma_wait3A_75 = arith.constant 0 : i32
        %dma_wait3A_76 = tpu.memref_slice %arg7[%add3A_74, %dma_wait3A_75] : memref<32x64xi32, #tpu.memory_space<vmem>> -> memref<1x64xi32, #tpu.memory_space<vmem>>
        %dma_wait3A_77 = tpu.memref_squeeze %dma_wait3A_76 : memref<1x64xi32, #tpu.memory_space<vmem>> -> memref<64xi32, #tpu.memory_space<vmem>>
        %dma_wait3A_78 = arith.constant 0 : i32
        %dma_wait3A_79 = arith.constant 0 : i32
        %dma_wait3A_80 = tpu.memref_slice %arg2[%dma_wait3A_78, %dma_wait3A_79] : memref<20000x128xf32, #tpu.memory_space<hbm>> -> memref<20000x128xf32, #tpu.memory_space<hbm>>
        tpu.wait_indirect_dma semaphore(%arg15 : memref<!tpu.dma_semaphore, #tpu.memory_space<semaphore_mem>>) src(%dma_wait3A_80 : memref<20000x128xf32, #tpu.memory_space<hbm>>) dst(%arg10 : memref<64x128xf32, #tpu.memory_space<vmem>>)
        "tpu.region"() ({
          %run_scoped3A = tpu.sem_alloc : memref<!tpu.dma_semaphore, #tpu.memory_space<semaphore_mem>>
          %dma_start3A_116 = arith.constant 0 : i32
          %dma_start3A_117 = tpu.memref_slice %arg8[%add3A_74, %dma_start3A_116] : memref<32x64xi32, #tpu.memory_space<vmem>> -> memref<1x64xi32, #tpu.memory_space<vmem>>
          %dma_start3A_118 = tpu.memref_squeeze %dma_start3A_117 : memref<1x64xi32, #tpu.memory_space<vmem>> -> memref<64xi32, #tpu.memory_space<vmem>>
          %dma_start3A_119 = arith.constant 0 : i32
          %dma_start3A_120 = arith.constant 0 : i32
          %dma_start3A_121 = tpu.memref_slice %arg13[%dma_start3A_119, %dma_start3A_120] : memref<10016x128xf32, #tpu.memory_space<vmem_shared>> -> memref<10016x128xf32, #tpu.memory_space<vmem_shared>>
          tpu.enqueue_indirect_dma source(%arg10 : memref<64x128xf32, #tpu.memory_space<vmem>>) target(%dma_start3A_121 : memref<10016x128xf32, #tpu.memory_space<vmem_shared>>) offsets(%dma_start3A_118 : memref<64xi32, #tpu.memory_space<vmem>>) semaphore(%run_scoped3A : memref<!tpu.dma_semaphore, #tpu.memory_space<semaphore_mem>>) {add = true}
          %dma_wait3A_122 = arith.constant 0 : i32
          %dma_wait3A_123 = tpu.memref_slice %arg8[%add3A_74, %dma_wait3A_122] : memref<32x64xi32, #tpu.memory_space<vmem>> -> memref<1x64xi32, #tpu.memory_space<vmem>>
          %dma_wait3A_124 = tpu.memref_squeeze %dma_wait3A_123 : memref<1x64xi32, #tpu.memory_space<vmem>> -> memref<64xi32, #tpu.memory_space<vmem>>
          %dma_wait3A_125 = arith.constant 0 : i32
          %dma_wait3A_126 = arith.constant 0 : i32
          %dma_wait3A_127 = tpu.memref_slice %arg13[%dma_wait3A_125, %dma_wait3A_126] : memref<10016x128xf32, #tpu.memory_space<vmem_shared>> -> memref<10016x128xf32, #tpu.memory_space<vmem_shared>>
          tpu.wait_indirect_dma semaphore(%run_scoped3A : memref<!tpu.dma_semaphore, #tpu.memory_space<semaphore_mem>>) src(%arg10 : memref<64x128xf32, #tpu.memory_space<vmem>>) dst(%dma_wait3A_127 : memref<10016x128xf32, #tpu.memory_space<vmem_shared>>)
          tpu.yield
        }) : () -> ()
        %lt3A_81 = arith.constant 7 : i32
        %lt3A_82 = arith.cmpi slt, %scan3A_56, %lt3A_81 : i32
        %convert_element_type3A_83 = arith.extui %lt3A_82 : i1 to i32
        %cond3A_84 = arith.constant 0 : i32
        %cond3A_85 = arith.cmpi ne, %convert_element_type3A_83, %cond3A_84 : i32
        scf.if %cond3A_85 {
          %add3A_116 = arith.constant 4 : i32
          %add3A_117 = arith.addi %add3A_74, %add3A_116 : i32
          %dma_start3A_118 = arith.constant 0 : i32
          %dma_start3A_119 = tpu.memref_slice %arg7[%add3A_117, %dma_start3A_118] : memref<32x64xi32, #tpu.memory_space<vmem>> -> memref<1x64xi32, #tpu.memory_space<vmem>>
          %dma_start3A_120 = tpu.memref_squeeze %dma_start3A_119 : memref<1x64xi32, #tpu.memory_space<vmem>> -> memref<64xi32, #tpu.memory_space<vmem>>
          %dma_start3A_121 = arith.constant 0 : i32
          %dma_start3A_122 = arith.constant 0 : i32
          %dma_start3A_123 = tpu.memref_slice %arg2[%dma_start3A_121, %dma_start3A_122] : memref<20000x128xf32, #tpu.memory_space<hbm>> -> memref<20000x128xf32, #tpu.memory_space<hbm>>
          tpu.enqueue_indirect_dma source(%dma_start3A_123 : memref<20000x128xf32, #tpu.memory_space<hbm>>) target(%arg10 : memref<64x128xf32, #tpu.memory_space<vmem>>) offsets(%dma_start3A_120 : memref<64xi32, #tpu.memory_space<vmem>>) semaphore(%arg15 : memref<!tpu.dma_semaphore, #tpu.memory_space<semaphore_mem>>)
        } else {
        }
        %mul3A_86 = arith.constant 4 : i32
        %mul3A_87 = arith.muli %scan3A_56, %mul3A_86 : i32
        %add3A_88 = arith.constant 2 : i32
        %add3A_89 = arith.addi %mul3A_87, %add3A_88 : i32
        %dma_wait3A_90 = arith.constant 0 : i32
        %dma_wait3A_91 = tpu.memref_slice %arg7[%add3A_89, %dma_wait3A_90] : memref<32x64xi32, #tpu.memory_space<vmem>> -> memref<1x64xi32, #tpu.memory_space<vmem>>
        %dma_wait3A_92 = tpu.memref_squeeze %dma_wait3A_91 : memref<1x64xi32, #tpu.memory_space<vmem>> -> memref<64xi32, #tpu.memory_space<vmem>>
        %dma_wait3A_93 = arith.constant 0 : i32
        %dma_wait3A_94 = arith.constant 0 : i32
        %dma_wait3A_95 = tpu.memref_slice %arg2[%dma_wait3A_93, %dma_wait3A_94] : memref<20000x128xf32, #tpu.memory_space<hbm>> -> memref<20000x128xf32, #tpu.memory_space<hbm>>
        tpu.wait_indirect_dma semaphore(%arg16 : memref<!tpu.dma_semaphore, #tpu.memory_space<semaphore_mem>>) src(%dma_wait3A_95 : memref<20000x128xf32, #tpu.memory_space<hbm>>) dst(%arg11 : memref<64x128xf32, #tpu.memory_space<vmem>>)
        "tpu.region"() ({
          %run_scoped3A = tpu.sem_alloc : memref<!tpu.dma_semaphore, #tpu.memory_space<semaphore_mem>>
          %dma_start3A_116 = arith.constant 0 : i32
          %dma_start3A_117 = tpu.memref_slice %arg8[%add3A_89, %dma_start3A_116] : memref<32x64xi32, #tpu.memory_space<vmem>> -> memref<1x64xi32, #tpu.memory_space<vmem>>
          %dma_start3A_118 = tpu.memref_squeeze %dma_start3A_117 : memref<1x64xi32, #tpu.memory_space<vmem>> -> memref<64xi32, #tpu.memory_space<vmem>>
          %dma_start3A_119 = arith.constant 0 : i32
          %dma_start3A_120 = arith.constant 0 : i32
          %dma_start3A_121 = tpu.memref_slice %arg13[%dma_start3A_119, %dma_start3A_120] : memref<10016x128xf32, #tpu.memory_space<vmem_shared>> -> memref<10016x128xf32, #tpu.memory_space<vmem_shared>>
          tpu.enqueue_indirect_dma source(%arg11 : memref<64x128xf32, #tpu.memory_space<vmem>>) target(%dma_start3A_121 : memref<10016x128xf32, #tpu.memory_space<vmem_shared>>) offsets(%dma_start3A_118 : memref<64xi32, #tpu.memory_space<vmem>>) semaphore(%run_scoped3A : memref<!tpu.dma_semaphore, #tpu.memory_space<semaphore_mem>>) {add = true}
          %dma_wait3A_122 = arith.constant 0 : i32
          %dma_wait3A_123 = tpu.memref_slice %arg8[%add3A_89, %dma_wait3A_122] : memref<32x64xi32, #tpu.memory_space<vmem>> -> memref<1x64xi32, #tpu.memory_space<vmem>>
          %dma_wait3A_124 = tpu.memref_squeeze %dma_wait3A_123 : memref<1x64xi32, #tpu.memory_space<vmem>> -> memref<64xi32, #tpu.memory_space<vmem>>
          %dma_wait3A_125 = arith.constant 0 : i32
          %dma_wait3A_126 = arith.constant 0 : i32
          %dma_wait3A_127 = tpu.memref_slice %arg13[%dma_wait3A_125, %dma_wait3A_126] : memref<10016x128xf32, #tpu.memory_space<vmem_shared>> -> memref<10016x128xf32, #tpu.memory_space<vmem_shared>>
          tpu.wait_indirect_dma semaphore(%run_scoped3A : memref<!tpu.dma_semaphore, #tpu.memory_space<semaphore_mem>>) src(%arg11 : memref<64x128xf32, #tpu.memory_space<vmem>>) dst(%dma_wait3A_127 : memref<10016x128xf32, #tpu.memory_space<vmem_shared>>)
          tpu.yield
        }) : () -> ()
        %lt3A_96 = arith.constant 7 : i32
        %lt3A_97 = arith.cmpi slt, %scan3A_56, %lt3A_96 : i32
        %convert_element_type3A_98 = arith.extui %lt3A_97 : i1 to i32
        %cond3A_99 = arith.constant 0 : i32
        %cond3A_100 = arith.cmpi ne, %convert_element_type3A_98, %cond3A_99 : i32
        scf.if %cond3A_100 {
          %add3A_116 = arith.constant 4 : i32
          %add3A_117 = arith.addi %add3A_89, %add3A_116 : i32
          %dma_start3A_118 = arith.constant 0 : i32
          %dma_start3A_119 = tpu.memref_slice %arg7[%add3A_117, %dma_start3A_118] : memref<32x64xi32, #tpu.memory_space<vmem>> -> memref<1x64xi32, #tpu.memory_space<vmem>>
          %dma_start3A_120 = tpu.memref_squeeze %dma_start3A_119 : memref<1x64xi32, #tpu.memory_space<vmem>> -> memref<64xi32, #tpu.memory_space<vmem>>
          %dma_start3A_121 = arith.constant 0 : i32
          %dma_start3A_122 = arith.constant 0 : i32
          %dma_start3A_123 = tpu.memref_slice %arg2[%dma_start3A_121, %dma_start3A_122] : memref<20000x128xf32, #tpu.memory_space<hbm>> -> memref<20000x128xf32, #tpu.memory_space<hbm>>
          tpu.enqueue_indirect_dma source(%dma_start3A_123 : memref<20000x128xf32, #tpu.memory_space<hbm>>) target(%arg11 : memref<64x128xf32, #tpu.memory_space<vmem>>) offsets(%dma_start3A_120 : memref<64xi32, #tpu.memory_space<vmem>>) semaphore(%arg16 : memref<!tpu.dma_semaphore, #tpu.memory_space<semaphore_mem>>)
        } else {
        }
        %mul3A_101 = arith.constant 4 : i32
        %mul3A_102 = arith.muli %scan3A_56, %mul3A_101 : i32
        %add3A_103 = arith.constant 3 : i32
        %add3A_104 = arith.addi %mul3A_102, %add3A_103 : i32
        %dma_wait3A_105 = arith.constant 0 : i32
        %dma_wait3A_106 = tpu.memref_slice %arg7[%add3A_104, %dma_wait3A_105] : memref<32x64xi32, #tpu.memory_space<vmem>> -> memref<1x64xi32, #tpu.memory_space<vmem>>
        %dma_wait3A_107 = tpu.memref_squeeze %dma_wait3A_106 : memref<1x64xi32, #tpu.memory_space<vmem>> -> memref<64xi32, #tpu.memory_space<vmem>>
        %dma_wait3A_108 = arith.constant 0 : i32
        %dma_wait3A_109 = arith.constant 0 : i32
        %dma_wait3A_110 = tpu.memref_slice %arg2[%dma_wait3A_108, %dma_wait3A_109] : memref<20000x128xf32, #tpu.memory_space<hbm>> -> memref<20000x128xf32, #tpu.memory_space<hbm>>
        tpu.wait_indirect_dma semaphore(%arg17 : memref<!tpu.dma_semaphore, #tpu.memory_space<semaphore_mem>>) src(%dma_wait3A_110 : memref<20000x128xf32, #tpu.memory_space<hbm>>) dst(%arg12 : memref<64x128xf32, #tpu.memory_space<vmem>>)
        "tpu.region"() ({
          %run_scoped3A = tpu.sem_alloc : memref<!tpu.dma_semaphore, #tpu.memory_space<semaphore_mem>>
          %dma_start3A_116 = arith.constant 0 : i32
          %dma_start3A_117 = tpu.memref_slice %arg8[%add3A_104, %dma_start3A_116] : memref<32x64xi32, #tpu.memory_space<vmem>> -> memref<1x64xi32, #tpu.memory_space<vmem>>
          %dma_start3A_118 = tpu.memref_squeeze %dma_start3A_117 : memref<1x64xi32, #tpu.memory_space<vmem>> -> memref<64xi32, #tpu.memory_space<vmem>>
          %dma_start3A_119 = arith.constant 0 : i32
          %dma_start3A_120 = arith.constant 0 : i32
          %dma_start3A_121 = tpu.memref_slice %arg13[%dma_start3A_119, %dma_start3A_120] : memref<10016x128xf32, #tpu.memory_space<vmem_shared>> -> memref<10016x128xf32, #tpu.memory_space<vmem_shared>>
          tpu.enqueue_indirect_dma source(%arg12 : memref<64x128xf32, #tpu.memory_space<vmem>>) target(%dma_start3A_121 : memref<10016x128xf32, #tpu.memory_space<vmem_shared>>) offsets(%dma_start3A_118 : memref<64xi32, #tpu.memory_space<vmem>>) semaphore(%run_scoped3A : memref<!tpu.dma_semaphore, #tpu.memory_space<semaphore_mem>>) {add = true}
          %dma_wait3A_122 = arith.constant 0 : i32
          %dma_wait3A_123 = tpu.memref_slice %arg8[%add3A_104, %dma_wait3A_122] : memref<32x64xi32, #tpu.memory_space<vmem>> -> memref<1x64xi32, #tpu.memory_space<vmem>>
          %dma_wait3A_124 = tpu.memref_squeeze %dma_wait3A_123 : memref<1x64xi32, #tpu.memory_space<vmem>> -> memref<64xi32, #tpu.memory_space<vmem>>
          %dma_wait3A_125 = arith.constant 0 : i32
          %dma_wait3A_126 = arith.constant 0 : i32
          %dma_wait3A_127 = tpu.memref_slice %arg13[%dma_wait3A_125, %dma_wait3A_126] : memref<10016x128xf32, #tpu.memory_space<vmem_shared>> -> memref<10016x128xf32, #tpu.memory_space<vmem_shared>>
          tpu.wait_indirect_dma semaphore(%run_scoped3A : memref<!tpu.dma_semaphore, #tpu.memory_space<semaphore_mem>>) src(%arg12 : memref<64x128xf32, #tpu.memory_space<vmem>>) dst(%dma_wait3A_127 : memref<10016x128xf32, #tpu.memory_space<vmem_shared>>)
          tpu.yield
        }) : () -> ()
        %lt3A_111 = arith.constant 7 : i32
        %lt3A_112 = arith.cmpi slt, %scan3A_56, %lt3A_111 : i32
        %convert_element_type3A_113 = arith.extui %lt3A_112 : i1 to i32
        %cond3A_114 = arith.constant 0 : i32
        %cond3A_115 = arith.cmpi ne, %convert_element_type3A_113, %cond3A_114 : i32
        scf.if %cond3A_115 {
          %add3A_116 = arith.constant 4 : i32
          %add3A_117 = arith.addi %add3A_104, %add3A_116 : i32
          %dma_start3A_118 = arith.constant 0 : i32
          %dma_start3A_119 = tpu.memref_slice %arg7[%add3A_117, %dma_start3A_118] : memref<32x64xi32, #tpu.memory_space<vmem>> -> memref<1x64xi32, #tpu.memory_space<vmem>>
          %dma_start3A_120 = tpu.memref_squeeze %dma_start3A_119 : memref<1x64xi32, #tpu.memory_space<vmem>> -> memref<64xi32, #tpu.memory_space<vmem>>
          %dma_start3A_121 = arith.constant 0 : i32
          %dma_start3A_122 = arith.constant 0 : i32
          %dma_start3A_123 = tpu.memref_slice %arg2[%dma_start3A_121, %dma_start3A_122] : memref<20000x128xf32, #tpu.memory_space<hbm>> -> memref<20000x128xf32, #tpu.memory_space<hbm>>
          tpu.enqueue_indirect_dma source(%dma_start3A_123 : memref<20000x128xf32, #tpu.memory_space<hbm>>) target(%arg12 : memref<64x128xf32, #tpu.memory_space<vmem>>) offsets(%dma_start3A_120 : memref<64xi32, #tpu.memory_space<vmem>>) semaphore(%arg17 : memref<!tpu.dma_semaphore, #tpu.memory_space<semaphore_mem>>)
        } else {
        }
      }
      %scan3A_55 = arith.constant 8 : i32
    }
    %scan3A_9 = arith.constant 10 : i32
    %barrier3A_10 = arith.constant 0 : index
    tpu.barrier barrier_id(%barrier3A_10)
    %lt3A_11 = arith.constant 10 : i32
    %lt3A_12 = arith.cmpi slt, %arg1, %lt3A_11 : i32
    %convert_element_type3A_13 = arith.extui %lt3A_12 : i1 to i32
    %cond3A_14 = arith.constant 0 : i32
    %cond3A_15 = arith.cmpi ne, %convert_element_type3A_13, %cond3A_14 : i32
    scf.if %cond3A_15 {
      %mul3A_16 = arith.constant 1000 : i32
      %mul3A_17 = arith.muli %arg1, %mul3A_16 : i32
      %mul3A_18 = arith.constant 10000 : i32
      %mul3A_19 = arith.muli %arg0, %mul3A_18 : i32
      %mul3A_20 = arith.constant 1000 : i32
      %mul3A_21 = arith.muli %arg1, %mul3A_20 : i32
      %add3A_22 = arith.addi %mul3A_19, %mul3A_21 : i32
      "tpu.region"() ({
        %run_scoped3A = tpu.sem_alloc : memref<!tpu.dma_semaphore, #tpu.memory_space<semaphore_mem>>
        %dma_start3A = arith.constant 0 : i32
        %dma_start3A_23 = tpu.memref_slice %arg6[%add3A_22, %dma_start3A] : memref<20000x128xf32, #tpu.memory_space<hbm>> -> memref<1000x128xf32, #tpu.memory_space<hbm>>
        %dma_start3A_24 = arith.constant 0 : i32
        %dma_start3A_25 = tpu.memref_slice %arg13[%mul3A_17, %dma_start3A_24] : memref<10016x128xf32, #tpu.memory_space<vmem_shared>> -> memref<1000x128xf32, #tpu.memory_space<vmem_shared>>
        tpu.enqueue_dma source(%dma_start3A_25 : memref<1000x128xf32, #tpu.memory_space<vmem_shared>>) target(%dma_start3A_23 : memref<1000x128xf32, #tpu.memory_space<hbm>>) target_semaphore(%run_scoped3A : memref<!tpu.dma_semaphore, #tpu.memory_space<semaphore_mem>>)
        %dma_wait3A = arith.constant 0 : i32
        %dma_wait3A_26 = tpu.memref_slice %arg6[%add3A_22, %dma_wait3A] : memref<20000x128xf32, #tpu.memory_space<hbm>> -> memref<1000x128xf32, #tpu.memory_space<hbm>>
        %dma_wait3A_27 = arith.constant 0 : i32
        %dma_wait3A_28 = tpu.memref_slice %arg13[%mul3A_17, %dma_wait3A_27] : memref<10016x128xf32, #tpu.memory_space<vmem_shared>> -> memref<1000x128xf32, #tpu.memory_space<vmem_shared>>
        tpu.wait_dma2 semaphore(%run_scoped3A : memref<!tpu.dma_semaphore, #tpu.memory_space<semaphore_mem>>) src(%dma_wait3A_28 : memref<1000x128xf32, #tpu.memory_space<vmem_shared>>) dst(%dma_wait3A_26 : memref<1000x128xf32, #tpu.memory_space<hbm>>)
        tpu.yield
      }) : () -> ()
    } else {
    }
    return
  }
}

module attributes {stable_mosaic.version = 14 : i64} {
  func.func @_proj_body(%arg0: i32, %arg1: memref<400x128xf32, #tpu.memory_space<vmem>>, %arg2: memref<1x128x128xf32, #tpu.memory_space<vmem>>, %arg3: memref<400x128xf32, #tpu.memory_space<vmem>>) attributes {dimension_semantics = [#tpu.dimension_semantics<arbitrary>], iteration_bounds = array<i64: 50>, scalar_prefetch = 0 : i64, scratch_operands = 0 : i64, tpu.core_type = #tpu.core_type<tc>, window_params = [{transform_indices = @transform_0, window_bounds = array<i64: 400, 128>}, {transform_indices = @transform_1, window_bounds = array<i64: 1, 128, 128>}, {transform_indices = @transform_2, window_bounds = array<i64: 400, 128>}]} {
    %get3A = arith.constant 0 : index
    %get3A_0 = arith.constant 0 : index
    %get3A_1 = vector.load %arg1[%get3A, %get3A_0] : memref<400x128xf32, #tpu.memory_space<vmem>>, vector<400x128xf32>
    %get3A_2 = arith.constant 0 : index
    %get3A_3 = arith.constant 0 : index
    %get3A_4 = arith.constant 0 : index
    %get3A_5 = vector.load %arg2[%get3A_2, %get3A_3, %get3A_4] : memref<1x128x128xf32, #tpu.memory_space<vmem>>, vector<1x128x128xf32>
    %get3A_6 = vector.shape_cast %get3A_5 : vector<1x128x128xf32> to vector<128x128xf32>
    %dot_general3A = arith.constant dense<0.000000e+00> : vector<400x128xf32>
    %dot_general3A_7 = tpu.matmul %get3A_1, %get3A_6, %dot_general3A {dimension_numbers = #tpu.dot_dimension_numbers<[1], [0], [0], [1], [0, 0, 1, 1], [], []>, transpose_lhs_hint = false} : vector<400x128xf32>, vector<128x128xf32>, vector<400x128xf32> -> vector<400x128xf32>
    %swap3A = arith.constant 0 : index
    %swap3A_8 = arith.constant 0 : index
    %swap3A_9 = vector.load %arg3[%swap3A, %swap3A_8] : memref<400x128xf32, #tpu.memory_space<vmem>>, vector<400x128xf32>
    tpu.vector_store %arg3[%swap3A, %swap3A_8], %dot_general3A_7 {strides = array<i32>} : memref<400x128xf32, #tpu.memory_space<vmem>>, vector<400x128xf32>,
    return
  }
  func.func @transform_0(%arg0: i32) -> (i32, i32) {
    %c0_i32 = arith.constant 0 : i32
    %c0_i32_0 = arith.constant 0 : i32
    return %arg0, %c0_i32 : i32, i32
  }
  func.func @transform_1(%arg0: i32) -> (i32, i32, i32) {
    %jit3A = arith.constant 25 : i32
    %div3A = arith.divsi %arg0, %jit3A : i32
    %sign3A = arith.constant 0 : i32
    %sign3A_0 = arith.cmpi sgt, %arg0, %sign3A : i32
    %sign3A_1 = arith.extui %sign3A_0 : i1 to i32
    %sign3A_2 = arith.constant 0 : i32
    %sign3A_3 = arith.cmpi slt, %arg0, %sign3A_2 : i32
    %sign3A_4 = arith.extui %sign3A_3 : i1 to i32
    %sign3A_5 = arith.subi %sign3A_1, %sign3A_4 : i32
    %sign3A_6 = arith.constant 0 : i32
    %sign3A_7 = arith.cmpi sgt, %jit3A, %sign3A_6 : i32
    %sign3A_8 = arith.extui %sign3A_7 : i1 to i32
    %sign3A_9 = arith.constant 0 : i32
    %sign3A_10 = arith.cmpi slt, %jit3A, %sign3A_9 : i32
    %sign3A_11 = arith.extui %sign3A_10 : i1 to i32
    %sign3A_12 = arith.subi %sign3A_8, %sign3A_11 : i32
    %ne3A = arith.cmpi ne, %sign3A_5, %sign3A_12 : i32
    %rem3A = arith.remsi %arg0, %jit3A : i32
    %ne3A_13 = arith.constant 0 : i32
    %ne3A_14 = arith.cmpi ne, %rem3A, %ne3A_13 : i32
    %and3A = arith.andi %ne3A, %ne3A_14 : i1
    %sub3A = arith.constant 1 : i32
    %sub3A_15 = arith.subi %div3A, %sub3A : i32
    %select_n3A = arith.select %and3A, %sub3A_15, %div3A : i32
    %c0_i32 = arith.constant 0 : i32
    %c0_i32_16 = arith.constant 0 : i32
    %c0_i32_17 = arith.constant 0 : i32
    return %select_n3A, %c0_i32, %c0_i32_16 : i32, i32, i32
  }
  func.func @transform_2(%arg0: i32) -> (i32, i32) {
    %c0_i32 = arith.constant 0 : i32
    %c0_i32_0 = arith.constant 0 : i32
    return %arg0, %c0_i32 : i32, i32
  }
}

module attributes {stable_mosaic.version = 14 : i64} {
  func.func @_layer_body(%arg0: i32, %arg1: memref<400x128xf32, #tpu.memory_space<vmem>>, %arg2: memref<400x128xf32, #tpu.memory_space<vmem>>, %arg3: memref<400x1xf32, #tpu.memory_space<vmem>>, %arg4: memref<1x128x128xf32, #tpu.memory_space<vmem>>, %arg5: memref<1x128x128xf32, #tpu.memory_space<vmem>>, %arg6: memref<400x128xf32, #tpu.memory_space<vmem>>) attributes {dimension_semantics = [#tpu.dimension_semantics<arbitrary>], iteration_bounds = array<i64: 50>, scalar_prefetch = 0 : i64, scratch_operands = 0 : i64, tpu.core_type = #tpu.core_type<tc>, window_params = [{transform_indices = @transform_0, window_bounds = array<i64: 400, 128>}, {transform_indices = @transform_1, window_bounds = array<i64: 400, 128>}, {transform_indices = @transform_2, window_bounds = array<i64: 400, 1>}, {transform_indices = @transform_3, window_bounds = array<i64: 1, 128, 128>}, {transform_indices = @transform_4, window_bounds = array<i64: 1, 128, 128>}, {transform_indices = @transform_5, window_bounds = array<i64: 400, 128>}]} {
    %get3A = arith.constant 0 : index
    %get3A_0 = arith.constant 0 : index
    %get3A_1 = vector.load %arg3[%get3A, %get3A_0] : memref<400x1xf32, #tpu.memory_space<vmem>>, vector<400x1xf32>
    %max3A = arith.constant 1.000000e+00 : f32
    %max3A_2 = vector.broadcast %max3A : f32 to vector<400x1xf32>
    %max3A_3 = arith.maximumf %get3A_1, %max3A_2 : vector<400x1xf32>
    %div3A = arith.constant 1.000000e+00 : f32
    %div3A_4 = vector.broadcast %div3A : f32 to vector<400x1xf32>
    %div3A_5 = arith.divf %div3A_4, %max3A_3 : vector<400x1xf32>
    %get3A_6 = arith.constant 0 : index
    %get3A_7 = arith.constant 0 : index
    %get3A_8 = vector.load %arg2[%get3A_6, %get3A_7] : memref<400x128xf32, #tpu.memory_space<vmem>>, vector<400x128xf32>
    %mul3A = vector.broadcast %div3A_5 : vector<400x1xf32> to vector<400x128xf32>
    %mul3A_9 = arith.mulf %get3A_8, %mul3A : vector<400x128xf32>
    %get3A_10 = arith.constant 0 : index
    %get3A_11 = arith.constant 0 : index
    %get3A_12 = vector.load %arg1[%get3A_10, %get3A_11] : memref<400x128xf32, #tpu.memory_space<vmem>>, vector<400x128xf32>
    %get3A_13 = arith.constant 0 : index
    %get3A_14 = arith.constant 0 : index
    %get3A_15 = arith.constant 0 : index
    %get3A_16 = vector.load %arg4[%get3A_13, %get3A_14, %get3A_15] : memref<1x128x128xf32, #tpu.memory_space<vmem>>, vector<1x128x128xf32>
    %get3A_17 = vector.shape_cast %get3A_16 : vector<1x128x128xf32> to vector<128x128xf32>
    %dot_general3A = arith.constant dense<0.000000e+00> : vector<400x128xf32>
    %dot_general3A_18 = tpu.matmul %get3A_12, %get3A_17, %dot_general3A {dimension_numbers = #tpu.dot_dimension_numbers<[1], [0], [0], [1], [0, 0, 1, 1], [], []>, transpose_lhs_hint = false} : vector<400x128xf32>, vector<128x128xf32>, vector<400x128xf32> -> vector<400x128xf32>
    %get3A_19 = arith.constant 0 : index
    %get3A_20 = arith.constant 0 : index
    %get3A_21 = arith.constant 0 : index
    %get3A_22 = vector.load %arg5[%get3A_19, %get3A_20, %get3A_21] : memref<1x128x128xf32, #tpu.memory_space<vmem>>, vector<1x128x128xf32>
    %get3A_23 = vector.shape_cast %get3A_22 : vector<1x128x128xf32> to vector<128x128xf32>
    %dot_general3A_24 = arith.constant dense<0.000000e+00> : vector<400x128xf32>
    %dot_general3A_25 = tpu.matmul %mul3A_9, %get3A_23, %dot_general3A_24 {dimension_numbers = #tpu.dot_dimension_numbers<[1], [0], [0], [1], [0, 0, 1, 1], [], []>, transpose_lhs_hint = false} : vector<400x128xf32>, vector<128x128xf32>, vector<400x128xf32> -> vector<400x128xf32>
    %add3A = arith.addf %dot_general3A_18, %dot_general3A_25 : vector<400x128xf32>
    %max3A_26 = arith.constant 0.000000e+00 : f32
    %max3A_27 = vector.broadcast %max3A_26 : f32 to vector<400x128xf32>
    %max3A_28 = arith.maximumf %add3A, %max3A_27 : vector<400x128xf32>
    %mul3A_29 = arith.mulf %max3A_28, %max3A_28 : vector<400x128xf32>
    %reduce_sum3A = arith.constant dense<0.000000e+00> : vector<400xf32>
    %reduce_sum3A_30 = vector.multi_reduction <add>, %mul3A_29, %reduce_sum3A [1] : vector<400x128xf32> to vector<400xf32>
    %broadcast_in_dim3A = vector.shape_cast %reduce_sum3A_30 : vector<400xf32> to vector<400x1xf32>
    %sqrt3A = math.sqrt %broadcast_in_dim3A : vector<400x1xf32>
    %max3A_31 = arith.constant 9.99999997E-7 : f32
    %max3A_32 = vector.broadcast %max3A_31 : f32 to vector<400x1xf32>
    %max3A_33 = arith.maximumf %sqrt3A, %max3A_32 : vector<400x1xf32>
    %div3A_34 = vector.broadcast %max3A_33 : vector<400x1xf32> to vector<400x128xf32>
    %div3A_35 = arith.divf %max3A_28, %div3A_34 : vector<400x128xf32>
    %swap3A = arith.constant 0 : index
    %swap3A_36 = arith.constant 0 : index
    %swap3A_37 = vector.load %arg6[%swap3A, %swap3A_36] : memref<400x128xf32, #tpu.memory_space<vmem>>, vector<400x128xf32>
    tpu.vector_store %arg6[%swap3A, %swap3A_36], %div3A_35 {strides = array<i32>} : memref<400x128xf32, #tpu.memory_space<vmem>>, vector<400x128xf32>,
    return
  }
  func.func @transform_0(%arg0: i32) -> (i32, i32) {
    %c0_i32 = arith.constant 0 : i32
    %c0_i32_0 = arith.constant 0 : i32
    return %arg0, %c0_i32 : i32, i32
  }
  func.func @transform_1(%arg0: i32) -> (i32, i32) {
    %c0_i32 = arith.constant 0 : i32
    %c0_i32_0 = arith.constant 0 : i32
    return %arg0, %c0_i32 : i32, i32
  }
  func.func @transform_2(%arg0: i32) -> (i32, i32) {
    %c0_i32 = arith.constant 0 : i32
    %c0_i32_0 = arith.constant 0 : i32
    return %arg0, %c0_i32 : i32, i32
  }
  func.func @transform_3(%arg0: i32) -> (i32, i32, i32) {
    %jit3A = arith.constant 25 : i32
    %div3A = arith.divsi %arg0, %jit3A : i32
    %sign3A = arith.constant 0 : i32
    %sign3A_0 = arith.cmpi sgt, %arg0, %sign3A : i32
    %sign3A_1 = arith.extui %sign3A_0 : i1 to i32
    %sign3A_2 = arith.constant 0 : i32
    %sign3A_3 = arith.cmpi slt, %arg0, %sign3A_2 : i32
    %sign3A_4 = arith.extui %sign3A_3 : i1 to i32
    %sign3A_5 = arith.subi %sign3A_1, %sign3A_4 : i32
    %sign3A_6 = arith.constant 0 : i32
    %sign3A_7 = arith.cmpi sgt, %jit3A, %sign3A_6 : i32
    %sign3A_8 = arith.extui %sign3A_7 : i1 to i32
    %sign3A_9 = arith.constant 0 : i32
    %sign3A_10 = arith.cmpi slt, %jit3A, %sign3A_9 : i32
    %sign3A_11 = arith.extui %sign3A_10 : i1 to i32
    %sign3A_12 = arith.subi %sign3A_8, %sign3A_11 : i32
    %ne3A = arith.cmpi ne, %sign3A_5, %sign3A_12 : i32
    %rem3A = arith.remsi %arg0, %jit3A : i32
    %ne3A_13 = arith.constant 0 : i32
    %ne3A_14 = arith.cmpi ne, %rem3A, %ne3A_13 : i32
    %and3A = arith.andi %ne3A, %ne3A_14 : i1
    %sub3A = arith.constant 1 : i32
    %sub3A_15 = arith.subi %div3A, %sub3A : i32
    %select_n3A = arith.select %and3A, %sub3A_15, %div3A : i32
    %c0_i32 = arith.constant 0 : i32
    %c0_i32_16 = arith.constant 0 : i32
    %c0_i32_17 = arith.constant 0 : i32
    return %select_n3A, %c0_i32, %c0_i32_16 : i32, i32, i32
  }
  func.func @transform_4(%arg0: i32) -> (i32, i32, i32) {
    %jit3A = arith.constant 25 : i32
    %div3A = arith.divsi %arg0, %jit3A : i32
    %sign3A = arith.constant 0 : i32
    %sign3A_0 = arith.cmpi sgt, %arg0, %sign3A : i32
    %sign3A_1 = arith.extui %sign3A_0 : i1 to i32
    %sign3A_2 = arith.constant 0 : i32
    %sign3A_3 = arith.cmpi slt, %arg0, %sign3A_2 : i32
    %sign3A_4 = arith.extui %sign3A_3 : i1 to i32
    %sign3A_5 = arith.subi %sign3A_1, %sign3A_4 : i32
    %sign3A_6 = arith.constant 0 : i32
    %sign3A_7 = arith.cmpi sgt, %jit3A, %sign3A_6 : i32
    %sign3A_8 = arith.extui %sign3A_7 : i1 to i32
    %sign3A_9 = arith.constant 0 : i32
    %sign3A_10 = arith.cmpi slt, %jit3A, %sign3A_9 : i32
    %sign3A_11 = arith.extui %sign3A_10 : i1 to i32
    %sign3A_12 = arith.subi %sign3A_8, %sign3A_11 : i32
    %ne3A = arith.cmpi ne, %sign3A_5, %sign3A_12 : i32
    %rem3A = arith.remsi %arg0, %jit3A : i32
    %ne3A_13 = arith.constant 0 : i32
    %ne3A_14 = arith.cmpi ne, %rem3A, %ne3A_13 : i32
    %and3A = arith.andi %ne3A, %ne3A_14 : i1
    %sub3A = arith.constant 1 : i32
    %sub3A_15 = arith.subi %div3A, %sub3A : i32
    %select_n3A = arith.select %and3A, %sub3A_15, %div3A : i32
    %c0_i32 = arith.constant 0 : i32
    %c0_i32_16 = arith.constant 0 : i32
    %c0_i32_17 = arith.constant 0 : i32
    return %select_n3A, %c0_i32, %c0_i32_16 : i32, i32, i32
  }
  func.func @transform_5(%arg0: i32) -> (i32, i32) {
    %c0_i32 = arith.constant 0 : i32
    %c0_i32_0 = arith.constant 0 : i32
    return %arg0, %c0_i32 : i32, i32
  }
}

module attributes {stable_mosaic.version = 14 : i64} {
  func.func @_layer_body(%arg0: i32, %arg1: memref<400x128xf32, #tpu.memory_space<vmem>>, %arg2: memref<400x128xf32, #tpu.memory_space<vmem>>, %arg3: memref<400x1xf32, #tpu.memory_space<vmem>>, %arg4: memref<1x128x128xf32, #tpu.memory_space<vmem>>, %arg5: memref<1x128x128xf32, #tpu.memory_space<vmem>>, %arg6: memref<400x128xf32, #tpu.memory_space<vmem>>, %arg7: memref<400x128xf32, #tpu.memory_space<vmem>>) attributes {dimension_semantics = [#tpu.dimension_semantics<arbitrary>], iteration_bounds = array<i64: 50>, scalar_prefetch = 0 : i64, scratch_operands = 0 : i64, tpu.core_type = #tpu.core_type<tc>, window_params = [{transform_indices = @transform_0, window_bounds = array<i64: 400, 128>}, {transform_indices = @transform_1, window_bounds = array<i64: 400, 128>}, {transform_indices = @transform_2, window_bounds = array<i64: 400, 1>}, {transform_indices = @transform_3, window_bounds = array<i64: 1, 128, 128>}, {transform_indices = @transform_4, window_bounds = array<i64: 1, 128, 128>}, {transform_indices = @transform_5, window_bounds = array<i64: 400, 128>}, {transform_indices = @transform_6, window_bounds = array<i64: 400, 128>}]} {
    %get3A = arith.constant 0 : index
    %get3A_0 = arith.constant 0 : index
    %get3A_1 = vector.load %arg3[%get3A, %get3A_0] : memref<400x1xf32, #tpu.memory_space<vmem>>, vector<400x1xf32>
    %max3A = arith.constant 1.000000e+00 : f32
    %max3A_2 = vector.broadcast %max3A : f32 to vector<400x1xf32>
    %max3A_3 = arith.maximumf %get3A_1, %max3A_2 : vector<400x1xf32>
    %div3A = arith.constant 1.000000e+00 : f32
    %div3A_4 = vector.broadcast %div3A : f32 to vector<400x1xf32>
    %div3A_5 = arith.divf %div3A_4, %max3A_3 : vector<400x1xf32>
    %get3A_6 = arith.constant 0 : index
    %get3A_7 = arith.constant 0 : index
    %get3A_8 = vector.load %arg2[%get3A_6, %get3A_7] : memref<400x128xf32, #tpu.memory_space<vmem>>, vector<400x128xf32>
    %mul3A = vector.broadcast %div3A_5 : vector<400x1xf32> to vector<400x128xf32>
    %mul3A_9 = arith.mulf %get3A_8, %mul3A : vector<400x128xf32>
    %get3A_10 = arith.constant 0 : index
    %get3A_11 = arith.constant 0 : index
    %get3A_12 = vector.load %arg1[%get3A_10, %get3A_11] : memref<400x128xf32, #tpu.memory_space<vmem>>, vector<400x128xf32>
    %get3A_13 = arith.constant 0 : index
    %get3A_14 = arith.constant 0 : index
    %get3A_15 = arith.constant 0 : index
    %get3A_16 = vector.load %arg4[%get3A_13, %get3A_14, %get3A_15] : memref<1x128x128xf32, #tpu.memory_space<vmem>>, vector<1x128x128xf32>
    %get3A_17 = vector.shape_cast %get3A_16 : vector<1x128x128xf32> to vector<128x128xf32>
    %dot_general3A = arith.constant dense<0.000000e+00> : vector<400x128xf32>
    %dot_general3A_18 = tpu.matmul %get3A_12, %get3A_17, %dot_general3A {dimension_numbers = #tpu.dot_dimension_numbers<[1], [0], [0], [1], [0, 0, 1, 1], [], []>, transpose_lhs_hint = false} : vector<400x128xf32>, vector<128x128xf32>, vector<400x128xf32> -> vector<400x128xf32>
    %get3A_19 = arith.constant 0 : index
    %get3A_20 = arith.constant 0 : index
    %get3A_21 = arith.constant 0 : index
    %get3A_22 = vector.load %arg5[%get3A_19, %get3A_20, %get3A_21] : memref<1x128x128xf32, #tpu.memory_space<vmem>>, vector<1x128x128xf32>
    %get3A_23 = vector.shape_cast %get3A_22 : vector<1x128x128xf32> to vector<128x128xf32>
    %dot_general3A_24 = arith.constant dense<0.000000e+00> : vector<400x128xf32>
    %dot_general3A_25 = tpu.matmul %mul3A_9, %get3A_23, %dot_general3A_24 {dimension_numbers = #tpu.dot_dimension_numbers<[1], [0], [0], [1], [0, 0, 1, 1], [], []>, transpose_lhs_hint = false} : vector<400x128xf32>, vector<128x128xf32>, vector<400x128xf32> -> vector<400x128xf32>
    %add3A = arith.addf %dot_general3A_18, %dot_general3A_25 : vector<400x128xf32>
    %max3A_26 = arith.constant 0.000000e+00 : f32
    %max3A_27 = vector.broadcast %max3A_26 : f32 to vector<400x128xf32>
    %max3A_28 = arith.maximumf %add3A, %max3A_27 : vector<400x128xf32>
    %mul3A_29 = arith.mulf %max3A_28, %max3A_28 : vector<400x128xf32>
    %reduce_sum3A = arith.constant dense<0.000000e+00> : vector<400xf32>
    %reduce_sum3A_30 = vector.multi_reduction <add>, %mul3A_29, %reduce_sum3A [1] : vector<400x128xf32> to vector<400xf32>
    %broadcast_in_dim3A = vector.shape_cast %reduce_sum3A_30 : vector<400xf32> to vector<400x1xf32>
    %sqrt3A = math.sqrt %broadcast_in_dim3A : vector<400x1xf32>
    %max3A_31 = arith.constant 9.99999997E-7 : f32
    %max3A_32 = vector.broadcast %max3A_31 : f32 to vector<400x1xf32>
    %max3A_33 = arith.maximumf %sqrt3A, %max3A_32 : vector<400x1xf32>
    %div3A_34 = vector.broadcast %max3A_33 : vector<400x1xf32> to vector<400x128xf32>
    %div3A_35 = arith.divf %max3A_28, %div3A_34 : vector<400x128xf32>
    %get3A_36 = arith.constant 0 : index
    %get3A_37 = arith.constant 0 : index
    %get3A_38 = vector.load %arg6[%get3A_36, %get3A_37] : memref<400x128xf32, #tpu.memory_space<vmem>>, vector<400x128xf32>
    %add3A_39 = arith.addf %div3A_35, %get3A_38 : vector<400x128xf32>
    %swap3A = arith.constant 0 : index
    %swap3A_40 = arith.constant 0 : index
    %swap3A_41 = vector.load %arg7[%swap3A, %swap3A_40] : memref<400x128xf32, #tpu.memory_space<vmem>>, vector<400x128xf32>
    tpu.vector_store %arg7[%swap3A, %swap3A_40], %add3A_39 {strides = array<i32>} : memref<400x128xf32, #tpu.memory_space<vmem>>, vector<400x128xf32>,
    return
  }
  func.func @transform_0(%arg0: i32) -> (i32, i32) {
    %c0_i32 = arith.constant 0 : i32
    %c0_i32_0 = arith.constant 0 : i32
    return %arg0, %c0_i32 : i32, i32
  }
  func.func @transform_1(%arg0: i32) -> (i32, i32) {
    %c0_i32 = arith.constant 0 : i32
    %c0_i32_0 = arith.constant 0 : i32
    return %arg0, %c0_i32 : i32, i32
  }
  func.func @transform_2(%arg0: i32) -> (i32, i32) {
    %c0_i32 = arith.constant 0 : i32
    %c0_i32_0 = arith.constant 0 : i32
    return %arg0, %c0_i32 : i32, i32
  }
  func.func @transform_3(%arg0: i32) -> (i32, i32, i32) {
    %jit3A = arith.constant 25 : i32
    %div3A = arith.divsi %arg0, %jit3A : i32
    %sign3A = arith.constant 0 : i32
    %sign3A_0 = arith.cmpi sgt, %arg0, %sign3A : i32
    %sign3A_1 = arith.extui %sign3A_0 : i1 to i32
    %sign3A_2 = arith.constant 0 : i32
    %sign3A_3 = arith.cmpi slt, %arg0, %sign3A_2 : i32
    %sign3A_4 = arith.extui %sign3A_3 : i1 to i32
    %sign3A_5 = arith.subi %sign3A_1, %sign3A_4 : i32
    %sign3A_6 = arith.constant 0 : i32
    %sign3A_7 = arith.cmpi sgt, %jit3A, %sign3A_6 : i32
    %sign3A_8 = arith.extui %sign3A_7 : i1 to i32
    %sign3A_9 = arith.constant 0 : i32
    %sign3A_10 = arith.cmpi slt, %jit3A, %sign3A_9 : i32
    %sign3A_11 = arith.extui %sign3A_10 : i1 to i32
    %sign3A_12 = arith.subi %sign3A_8, %sign3A_11 : i32
    %ne3A = arith.cmpi ne, %sign3A_5, %sign3A_12 : i32
    %rem3A = arith.remsi %arg0, %jit3A : i32
    %ne3A_13 = arith.constant 0 : i32
    %ne3A_14 = arith.cmpi ne, %rem3A, %ne3A_13 : i32
    %and3A = arith.andi %ne3A, %ne3A_14 : i1
    %sub3A = arith.constant 1 : i32
    %sub3A_15 = arith.subi %div3A, %sub3A : i32
    %select_n3A = arith.select %and3A, %sub3A_15, %div3A : i32
    %c0_i32 = arith.constant 0 : i32
    %c0_i32_16 = arith.constant 0 : i32
    %c0_i32_17 = arith.constant 0 : i32
    return %select_n3A, %c0_i32, %c0_i32_16 : i32, i32, i32
  }
  func.func @transform_4(%arg0: i32) -> (i32, i32, i32) {
    %jit3A = arith.constant 25 : i32
    %div3A = arith.divsi %arg0, %jit3A : i32
    %sign3A = arith.constant 0 : i32
    %sign3A_0 = arith.cmpi sgt, %arg0, %sign3A : i32
    %sign3A_1 = arith.extui %sign3A_0 : i1 to i32
    %sign3A_2 = arith.constant 0 : i32
    %sign3A_3 = arith.cmpi slt, %arg0, %sign3A_2 : i32
    %sign3A_4 = arith.extui %sign3A_3 : i1 to i32
    %sign3A_5 = arith.subi %sign3A_1, %sign3A_4 : i32
    %sign3A_6 = arith.constant 0 : i32
    %sign3A_7 = arith.cmpi sgt, %jit3A, %sign3A_6 : i32
    %sign3A_8 = arith.extui %sign3A_7 : i1 to i32
    %sign3A_9 = arith.constant 0 : i32
    %sign3A_10 = arith.cmpi slt, %jit3A, %sign3A_9 : i32
    %sign3A_11 = arith.extui %sign3A_10 : i1 to i32
    %sign3A_12 = arith.subi %sign3A_8, %sign3A_11 : i32
    %ne3A = arith.cmpi ne, %sign3A_5, %sign3A_12 : i32
    %rem3A = arith.remsi %arg0, %jit3A : i32
    %ne3A_13 = arith.constant 0 : i32
    %ne3A_14 = arith.cmpi ne, %rem3A, %ne3A_13 : i32
    %and3A = arith.andi %ne3A, %ne3A_14 : i1
    %sub3A = arith.constant 1 : i32
    %sub3A_15 = arith.subi %div3A, %sub3A : i32
    %select_n3A = arith.select %and3A, %sub3A_15, %div3A : i32
    %c0_i32 = arith.constant 0 : i32
    %c0_i32_16 = arith.constant 0 : i32
    %c0_i32_17 = arith.constant 0 : i32
    return %select_n3A, %c0_i32, %c0_i32_16 : i32, i32, i32
  }
  func.func @transform_5(%arg0: i32) -> (i32, i32) {
    %c0_i32 = arith.constant 0 : i32
    %c0_i32_0 = arith.constant 0 : i32
    return %arg0, %c0_i32 : i32, i32
  }
  func.func @transform_6(%arg0: i32) -> (i32, i32) {
    %c0_i32 = arith.constant 0 : i32
    %c0_i32_0 = arith.constant 0 : i32
    return %arg0, %c0_i32 : i32, i32
  }
}

module attributes {stable_mosaic.version = 14 : i64} {
  func.func @_dot_body(%arg0: i32, %arg1: memref<512x128xf32, #tpu.memory_space<vmem>>, %arg2: memref<512x128xf32, #tpu.memory_space<vmem>>, %arg3: memref<512x1xf32, #tpu.memory_space<vmem>>) attributes {dimension_semantics = [#tpu.dimension_semantics<arbitrary>], iteration_bounds = array<i64: 32>, scalar_prefetch = 0 : i64, scratch_operands = 0 : i64, tpu.core_type = #tpu.core_type<tc>, window_params = [{transform_indices = @transform_0, window_bounds = array<i64: 512, 128>}, {transform_indices = @transform_1, window_bounds = array<i64: 512, 128>}, {transform_indices = @transform_2, window_bounds = array<i64: 512, 1>}]} {
    %get3A = arith.constant 0 : index
    %get3A_0 = arith.constant 0 : index
    %get3A_1 = vector.load %arg1[%get3A, %get3A_0] : memref<512x128xf32, #tpu.memory_space<vmem>>, vector<512x128xf32>
    %get3A_2 = arith.constant 0 : index
    %get3A_3 = arith.constant 0 : index
    %get3A_4 = vector.load %arg2[%get3A_2, %get3A_3] : memref<512x128xf32, #tpu.memory_space<vmem>>, vector<512x128xf32>
    %mul3A = arith.mulf %get3A_1, %get3A_4 : vector<512x128xf32>
    %reduce_sum3A = arith.constant dense<0.000000e+00> : vector<512xf32>
    %reduce_sum3A_5 = vector.multi_reduction <add>, %mul3A, %reduce_sum3A [1] : vector<512x128xf32> to vector<512xf32>
    %broadcast_in_dim3A = vector.shape_cast %reduce_sum3A_5 : vector<512xf32> to vector<512x1xf32>
    %swap3A = arith.constant 0 : index
    %swap3A_6 = arith.constant 0 : index
    %swap3A_7 = vector.load %arg3[%swap3A, %swap3A_6] : memref<512x1xf32, #tpu.memory_space<vmem>>, vector<512x1xf32>
    tpu.vector_store %arg3[%swap3A, %swap3A_6], %broadcast_in_dim3A {strides = array<i32>} : memref<512x1xf32, #tpu.memory_space<vmem>>, vector<512x1xf32>,
    return
  }
  func.func @transform_0(%arg0: i32) -> (i32, i32) {
    %c0_i32 = arith.constant 0 : i32
    %c0_i32_0 = arith.constant 0 : i32
    return %arg0, %c0_i32 : i32, i32
  }
  func.func @transform_1(%arg0: i32) -> (i32, i32) {
    %add3A = arith.constant 32 : i32
    %add3A_0 = arith.addi %arg0, %add3A : i32
    %c0_i32 = arith.constant 0 : i32
    %c0_i32_1 = arith.constant 0 : i32
    return %add3A_0, %c0_i32 : i32, i32
  }
  func.func @transform_2(%arg0: i32) -> (i32, i32) {
    %c0_i32 = arith.constant 0 : i32
    %c0_i32_0 = arith.constant 0 : i32
    return %arg0, %c0_i32 : i32, i32
  }
}

</mosaic_0001>

<sc_bundles>
// kernel: kernel.12.cloned.1.call-start
scs
__scs_entry_jumppad:
0x0: {  	(pc) =	sbr.rel $0x88, $3  }
0x1: {  	(tag) =	ssettag $0x0;
	lr =	simm.s32 $0x1  }
0x2: {  	[smem:$0x3F96] =	sst lr;
	_ =	strace $0xD0000000  }
0x3: {  	_ = 	snop  }
0x4: {  	_ = 	snop  }
0x5: {  	_ = 	snop  }
0x6: {  	_ = 	snop  }
0x7: {  	_ = 	snop  }
__scs_overlays_trampoline_lowered:
0x8: {  	[smem:$0x3FA5] =	sst s0  }
0x9: {  	[smem:$0x3FA6] =	sst s1  }
0xa: {  	[smem:$0x3FA7] =	sst s2  }
0xb: {  	[smem:$0x3FA8] =	sst s3  }
0xc: {  	[smem:$0x3FA9] =	sst s4  }
0xd: {  	[smem:$0x3FAA] =	sst s5  }
0xe: {  	[smem:$0x3FAB] =	sst s6  }
0xf: {  	[smem:$0x3FAC] =	sst s7  }
0x10: {  	[smem:$0x3FAD] =	sst s8  }
0x11: {  	[smem:$0x3FAE] =	sst s9;
	s0 =	simm.s32 @!p0 $0x0  }
0x12: {  	s1 =	sld [smem:$0x3F94];
	s0 =	simm.s32 @p0 $0x1  }
0x13: {  	[smem:$0x3FAF] =	sst s0;
	s0 =	simm.s32 @!p1 $0x0  }
0x14: {  	s2 =	sld [smem:$0x3F93];
	s0 =	simm.s32 @p1 $0x1  }
0x15: {  	[smem:$0x3FB0] =	sst s0;
	s0 =	simm.s32 @!p2 $0x0  }
0x16: {  	s3 =	sld [smem:$0x3FDB];
	s0 =	simm.s32 @p2 $0x1  }
0x17: {  	s4 =	simm.s32 $0x1BF5;
	[smem:$0x3FB2] =	sst s0  }
0x18: {  	s0 =	sld [smem:$0x3F95];
	_ =	swait.ge [sflag:s4], $0x0  }
0x19: {  	s7 =	sld [smem:$0x3F96]  }
0x1a: {  	s8 =	sadd.s32 $0xFFFFE003, lr  }
0x1b: {  	s9 =	sadd.s32 $0xFFFFFEF7, lr;
	s5 =	simm.s32 $0xFFFFFFFF;
	p2 =	slt.u32 s8, $0xFFFFF086  }
0x1c: {  	p1 =	slt.u32 s9, $0xF7A;
	s5 =	simm.s32 @!p2 $0x0  }
0x1d: {  	s5 =	simm.s32 @p1 $0x1;
	p0 =	seq.s32 s7, s2  }
0x1e: {  	s7 =	smul.u32 @!p0 $0xF7A, s2;
	p2 =	seq.s32 @!p0 s5, $0x0  }
0x1f: {  	s9 =	smul.u32 $0xF7A, s1;
	s8 =	simm.s32 @!p0 $0x1BF5;
	p2 =	por !p2, p0  }
0x20: {  	[sflag:s8] =	ssyncset.s32 @!p0 $0xFFFFF086;
	s6 =	sadd.s32 @!p0 s3, s7;
	s7 =	simm.s32 @!p0 $0x108  }
0x21: {  	s3 =	sadd.s32 s3, s9;
	s6 =	sadd.s32 @!p0 $0x88, s6;
	s7 =	simm.s32 @p2 $0x1082  }
0x22: {  	[simem:s7], [sflag:s8] =	dma.local @!p0 [hbm:s6], $0xF7A  }
0x23: {  	s9 =	sor.u32 $0xD0000000, s2;
	s6 =	simm.s32 $0x108;
	_ =	swait.ge @!p0 [sflag:s8], $0x0  }
0x24: {  	s3 =	sadd.s32 $0x88, s3;
	s6 =	simm.s32 @!p1 $0x1082;
	[sflag:s4] =	ssyncset.s32 $0xFFFFF086  }
0x25: {  	[simem:s6], [sflag:s4] =	dma.local [hbm:s3], $0xF7A  }
0x26: {  	[smem:$0x3F96] =	sst s1;
	(tag) =	ssettag s2;
	_ =	strace s9  }
0x27: {  	s1 =	sld [smem:$0x3FA6]  }
0x28: {  	s2 =	sld [smem:$0x3FA7]  }
0x29: {  	s4 =	sld [smem:$0x3FA9]  }
0x2a: {  	p0 =	seq.s32 s5, $0x0;
	s5 =	sld [smem:$0x3FAA]  }
0x2b: {  	s6 =	sld [smem:$0x3FAB]  }
0x2c: {  	s7 =	sld [smem:$0x3FAC]  }
0x2d: {  	s3 =	simm.s32 $0x108;
	s8 =	sld [smem:$0x3FAD]  }
0x2e: {  	s3 =	simm.s32 @!p0 $0x1082;
	s9 =	sld [smem:$0x3FAE]  }
0x2f: {  	lr =	sadd.s32 s0, s3;
	s0 =	sld [smem:$0x3FA5]  }
0x30: {  	s3 =	sld [smem:$0x3FA8]  }
0x31: {  	[smem:$0x3FB1] =	sst s10  }
0x32: {  	s10 =	sld [smem:$0x3FAF];
	_ =	sdelay $0x3  }
0x33: {  	p0 =	seq.s32 s10, $0x1;
	s10 =	sld [smem:$0x3FB1];
	_ =	sdelay $0x3  }
0x34: {  	[smem:$0x3FB1] =	sst s10  }
0x35: {  	s10 =	sld [smem:$0x3FB0];
	_ =	sdelay $0x3  }
0x36: {  	p1 =	seq.s32 s10, $0x1;
	s10 =	sld [smem:$0x3FB1];
	_ =	sdelay $0x3  }
0x37: {  	[smem:$0x3FB1] =	sst s10  }
0x38: {  	s10 =	sld [smem:$0x3FB2]  }
0x39: {  	_ = 	snop;
	(pc) =	sbr.ind lr, $3  }
0x3a: {  	_ = 	snop  }
0x3b: {  	_ = 	snop  }
0x3c: {  	p2 =	seq.s32 s10, $0x1;
	s10 =	sld [smem:$0x3FB1]  }
0x3d: {  	_ =	shalt  }
0x3e: {  	_ =	shalt  }
0x3f: {  	_ =	shalt  }
0x40: {  	_ =	shalt  }
0x41: {  	_ =	shalt  }
0x42: {  	_ =	shalt  }
0x43: {  	_ =	shalt  }
0x44: {  	_ =	shalt  }
0x45: {  	_ =	shalt  }
0x46: {  	_ =	shalt  }
0x47: {  	_ =	shalt  }
0x48: {  	_ =	shalt  }
0x49: {  	_ =	shalt  }
0x4a: {  	_ =	shalt  }
0x4b: {  	_ =	shalt  }
0x4c: {  	_ =	shalt  }
0x4d: {  	_ =	shalt  }
0x4e: {  	_ =	shalt  }
0x4f: {  	_ =	shalt  }
0x50: {  	_ =	shalt  }
0x51: {  	_ =	shalt  }
0x52: {  	_ =	shalt  }
0x53: {  	_ =	shalt  }
0x54: {  	_ =	shalt  }
0x55: {  	_ =	shalt  }
0x56: {  	_ =	shalt  }
0x57: {  	_ =	shalt  }
0x58: {  	_ =	shalt  }
0x59: {  	_ =	shalt  }
0x5a: {  	_ =	shalt  }
0x5b: {  	_ =	shalt  }
0x5c: {  	_ =	shalt  }
0x5d: {  	_ =	shalt  }
0x5e: {  	_ =	shalt  }
0x5f: {  	_ =	shalt  }
0x60: {  	_ =	shalt  }
0x61: {  	_ =	shalt  }
0x62: {  	_ =	shalt  }
0x63: {  	_ =	shalt  }
0x64: {  	_ =	shalt  }
0x65: {  	_ =	shalt  }
0x66: {  	_ =	shalt  }
0x67: {  	_ =	shalt  }
0x68: {  	_ =	shalt  }
0x69: {  	_ =	shalt  }
0x6a: {  	_ =	shalt  }
0x6b: {  	_ =	shalt  }
0x6c: {  	_ =	shalt  }
0x6d: {  	_ =	shalt  }
0x6e: {  	_ =	shalt  }
0x6f: {  	_ =	shalt  }
0x70: {  	_ =	shalt  }
0x71: {  	_ =	shalt  }
0x72: {  	_ =	shalt  }
0x73: {  	_ =	shalt  }
0x74: {  	_ =	shalt  }
0x75: {  	_ =	shalt  }
0x76: {  	_ =	shalt  }
0x77: {  	_ =	shalt  }
0x78: {  	_ =	shalt  }
0x79: {  	_ =	shalt  }
0x7a: {  	_ =	shalt  }
0x7b: {  	_ =	shalt  }
0x7c: {  	_ =	shalt  }
0x7d: {  	_ =	shalt  }
0x7e: {  	_ =	shalt  }
0x7f: {  	_ =	shalt  }
0x80: {  	_ =	shalt  }
0x81: {  	_ =	shalt  }
0x82: {  	_ =	shalt  }
0x83: {  	_ =	shalt  }
0x84: {  	_ =	shalt  }
0x85: {  	_ =	shalt  }
0x86: {  	_ =	shalt  }
0x87: {  	_ =	shalt  }
.Lfunc_end0:
.L_simem_size_0:
called_computation.1_lowered:
.L_overlay_start_0:
0x88: {  	s2 =	sld [smem:$0x3FD9]  }
0x89: {  	s3 =	sld [smem:$0x3FFE];
	_ =	sdelay $0x1  }
0x8a: {  	s1 =	srdreg.scid  }
0x8b: {  	s0 =	sand.u32 $0x1, s1  }
0x8c: {  	s16 =	sshll.u32 s0, $0xA;
	s2 =	sadd.s32 s3, s2  }
0x8d: {  	s2 =	sadd.s32 s2, s16  }
0x8e: {  	[smem:$0x3FBD] =	sst s2  }
0x8f: {  	_ = 	snop  }
0x90: {  	(tm) =	ssettm $0x1  }
0x91: {  	s17 =	sld [smem:$0x3FFB];
	_ =	sdelay $0x3  }
0x92: {  	_ =	strace s17  }
0x93: {  	s2 =	sld [smem:$0x3FFC];
	_ =	sdelay $0x3  }
0x94: {  	_ =	strace s2  }
0x95: {  	s2 =	sld [smem:$0x3FFD];
	_ =	sdelay $0x3  }
0x96: {  	_ =	strace s2  }
0x97: {  	_ =	strace $0x8FFFFFFF  }
0x98: {  	s18 =	sld [smem:$0x3FDB];
	_ =	sdelay $0x1  }
0x99: {  	s19 =	simm.s32 $_scs_section_size  }
0x9a: {  	s4 =	simm.s32 $_size__tile_overlayer_lowered;
	s5 =	simm.s32 $_tile_overlayer_lowered  }
0x9b: {  	s22 =	simm.s32 $0x1BFF;
	s21 =	sshll.u32 s5, $0x1;
	s2 =	sadd.s32 s19, s18  }
0x9c: {  	s6 =	simm.s32 $0x0;
	s20 =	sshll.u32 s4, $0x1;
	s4 =	sadd.s32 s21, s2  }
0x9d: {  	[timem:s6], [sflag:s22] =	dma.local [hbm:s4], s20  }
0x9e: {  	_ =	swait.ge [sflag:s22], s20  }
0x9f: {  	s3 =	ssub.s32 $0x0, s20;
	[sflag:s22] =	ssyncset.done $0x0  }
0xa0: {  	[sflag:s22] =	ssyncadd.s32 s3;
	_ =	sdelay $0x1  }
0xa1: {  	s23 =	simm.s32 $0x1B8B  }
0xa2: {  	_ =	swait.ge [sflag:s23], $0x1  }
0xa3: {  	[sflag:s23] =	ssyncset.done $0x0  }
0xa4: {  	s25 =	simm.s32 $0x1B8E;
	s24 =	sld [smem:$0x3FFE];
	[sflag:s23] =	ssyncadd.s32 $0xFFFFFFFF  }
0xa5: {  	s26 =	simm.s32 $execute0_lowered;
	[smem:$0x3FD2] =	sst s25  }
0xa6: {  	s4 =	sshll.u32 s26, $0x1;
	_ =	strace $0x80000049;
	[dreg:$0x1] =	wrdreg $0xFFFFFFFF  }
0xa7: {  	s28 =	simm.s32 $_size_execute0_lowered;
	s2 =	sadd.s32 s2, s4;
	[dreg:$0x0] =	wrdreg $0x0  }
0xa8: {  	s4 =	sshll.u32 s28, $0x1;
	[dreg:$0x2] =	wrdreg s2  }
0xa9: {  	[dreg:$0x3] =	wrdreg s4  }
0xaa: {  	[dreg:$0x4] =	wrdreg $0xC0  }
0xab: {  	_ =	task [dreg:s6], $0x5FFFF  }
0xac: {  	[dreg:$0x1] =	wrdreg $0xFFFFFFFF  }
0xad: {  	[dreg:$0x0] =	wrdreg $0x60  }
0xae: {  	[dreg:$0x2] =	wrdreg s24  }
0xaf: {  	[dreg:$0x3] =	wrdreg $0xA0000  }
0xb0: {  	[dreg:$0x4] =	wrdreg $0x9  }
0xb1: {  	_ =	task.clear_ibuf [dreg:s6], $0x5FFFF;
	_ =	strace $0x90000049  }
0xb2: {  	s29 =	simm.s32 $0x9;
	_ =	strace $0x8000004B  }
0xb3: {  	_ =	swait.ge [sflag:s29], $0x1  }
0xb4: {  	[sflag:s29] =	ssyncadd.s32 $0xFFFFFFFF  }
0xb5: {  	_ =	strace $0x9000004B  }
0xb6: {  	_ =	sfence  }
0xb7: {  	s30 =	sld [smem:$0x0];
	_ =	sdelay $0x2  }
0xb8: {  	s31 =	sshll.u32 s1, $0xD;
	s1 =	sshrl.u32 s1, $0x2  }
0xb9: {  	s3 =	sand.u32 $0x4000, s31;
	s1 =	sadd.s32 s1, s30  }
0xba: {  	s0 =	sor.u32 s3, s0;
	s1 =	sshll.u32 s1, $0x11  }
0xbb: {  	s0 =	sor.u32 s1, s0  }
0xbc: {  	s0 =	sadd.s32 $0x8F2B, s0  }
0xbd: {  	[sflag:s0] =	ssyncadd.remote.s32 $0x1  }
0xbe: {  	_ =	sfence.sel $0xFFFF  }
0xbf: {  	[dreg:$0x0] =	wrdreg $0xFFFFFFFF;
	(pc) =	sbr.abs _section_cstart, $3  }
0xc0: {  	[dreg:$0x1] =	wrdreg $0xFFFFFFFF  }
0xc1: {  	_ =	task.clear_ibuf [dreg:s6], $0x2FFFF;
	_ =	strace $0x9FFFFFFF  }
0xc2: {  	(tm) =	ssettm $0x7FFFFFFF  }
0xc3: {  	_ =	shalt  }
tec
execute0_lowered:
.L_overlay_start_1:
0x0: {  	(tag) =	ssettag $0x1  }
0x1: {  	s0 =	rddreg [dreg:$0x0]  }
0x2: {  	s2 =	rddreg [dreg:$0x1]  }
0x3: {  	s13 =	stileid.u32;
	s1 =	srdreg.scid;
	s3 =	simm.s32 $0x0  }
0x4: {  	s14 =	simm.s32 $0x1000;
	s15 =	simm.s32 $0x40;
	s16 =	simm.s32 $0x2000  }
0x5: {  	s17 =	simm.s32 $0x80;
	s18 =	simm.s32 $0x4000;
	s19 =	simm.s32 $0x100  }
0x6: {  	s20 =	simm.s32 $0x6000;
	s21 =	simm.s32 $0x180;
	s22 =	simm.s32 $0x8000  }
0x7: {  	s23 =	simm.s32 $0x1;
	s28 =	simm.s32 $0x1E00;
	s29 =	simm.s32 $0x1E80  }
0x8: {  	s30 =	simm.s32 $0x1F00;
	s31 =	simm.s32 $0x1F80;
	s7 =	smul.u32 $0x3E80, s13  }
0x9: {  	s1 =	sand.u32 $0x1, s1;
	[smem:$0x7FF] =	sst s3;
	s10 =	smul.u32 $0x140, s13  }
0xa: {  	s4 =	sadd.s32 $0xC8C00, s0;
	s5 =	sadd.s32 $0x3800, s0;
	s11 =	smul.u32 $0x7D000, s13  }
0xb: {  	s6 =	sadd.s32 $0x2B800, s0;
	p0 =	sgt.u32 s13, $0x9;
	s8 =	smul.u32 $0x27100, s1  }
0xc: {  	_ =	strace $0x8000004A;
	s9 =	smul.u32 $0x1400, s1;
	s1 =	ssub.s32 $0x2, s1  }
0xd: {  	s24 =	sshrl.u32 s1, $0x1;
	s26 =	sshrl.u32 s11, $0x2;
	s8 =	sadd.s32 s7, s8  }
0xe: {  	s7 =	sadd.s32 s7, s0;
	s1 =	ssub.s32 s1, s24;
	s25 =	sadd.s32 s10, s9  }
0xf: {  	s12 =	sadd.s32 s26, s2;
	s24 =	simm.s32 $0x2;
	s26 =	simm.s32 $0x4  }
0x10: {  	s0 =	sadd.s32 s8, s0;
	s7 =	sadd.s32 $0xA1A00, s7;
	s8 =	sshll.u32 s25, $0x4  }
0x11: {  	s10 =	smax.u32 s1, $0x1;
	s12 =	sshrl.u32 @!p0 s12, $0x3;
	s0 =	sadd.s32 $0x166000, s0  }
0x12: {  	s25 =	simm.s32 $0x3;
	[dreg:$0x4] =	wrdreg s0;
	s0 =	sshll.u32 @!p0 s13, $0x6  }
0x13: {  	[dreg:$0x3] =	wrdreg s7;
	s13 =	simm.s32 $0x5;
	s11 =	sor.u32 @!p0 $0x1C05, s0  }
.LBB2_1:
0x14: {  	s0 =	rddreg [dreg:$0x3]  }
0x15: {  	[spmem:s12], [sflag:s11] =	dma.local @!p0 [hbm:s0], $0x3E80  }
0x16: {  	s0 =	simm.s32 @!p0 $0x5  }
0x17: {  	_ =	swait.ge @!p0 [sflag:s0], $0x3E80  }
0x18: {  	[sflag:s0] =	ssyncset.done @!p0 $0x0  }
0x19: {  	[sflag:s0] =	ssyncadd.s32 @!p0 $0xFFFFC180  }
0x1a: {  	s0 =	simm.s32 $0x0;
	[bflag:$0x0] =	sbarrier.arrive $0xFFFF  }
.LBB2_2:
0x1b: {  	s1 =	sshll.u32 s0, $0x9  }
0x1c: {  	s1 =	sadd.s32 s8, s1  }
0x1d: {  	s9 =	simm.s32 $0x0;
	s7 =	sadd.s32 s5, s1  }
0x1e: {  	[tilespmem:s9], [sflag:$0x5] =	stream.linear.gather [hbm4b:s7+s9], $0x1000, $0x38;
	[tilespmem:$0x1D900] =	vst v63  }
0x1f: {  	_ =	swait.ge [sflag:s13], $0x1000  }
0x20: {  	[sflag:s13] =	ssyncset.done $0x0  }
0x21: {  	s1 =	sadd.s32 s6, s1;
	[sflag:s13] =	ssyncadd.s32 $0xFFFFF000  }
0x22: {  	[tilespmem:s14], [sflag:$0x5] =	stream.linear.gather [hbm4b:s1+s9], $0x1000, $0x38;
	[tilespmem:$0x1D900] =	vst v63  }
0x23: {  	_ =	swait.ge [sflag:s13], $0x1000  }
0x24: {  	[sflag:s13] =	ssyncset.done $0x0  }
0x25: {  	[sflag:s13] =	ssyncadd.s32 $0xFFFFF000  }
0x26: {  	[tilespmem:s16], [sflag:$0x1] =	stream.indirect.gather [hbm4b:s4+s15], $0x80, s9, s15, $0xb8;
	[tilespmem:$0x1D900] =	vst v63  }
0x27: {  	_ = 	snop  }
0x28: {  	[tilespmem:s18], [sflag:$0x2] =	stream.indirect.gather [hbm4b:s4+s15], $0x80, s17, s15, $0xb8;
	[tilespmem:$0x1D900] =	vst v63  }
0x29: {  	_ = 	snop  }
0x2a: {  	[tilespmem:s20], [sflag:$0x3] =	stream.indirect.gather [hbm4b:s4+s15], $0x80, s19, s15, $0xb8;
	[tilespmem:$0x1D900] =	vst v63  }
0x2b: {  	_ = 	snop  }
0x2c: {  	[tilespmem:s22], [sflag:$0x4] =	stream.indirect.gather [hbm4b:s4+s15], $0x80, s21, s15, $0xb8;
	[tilespmem:$0x1D900] =	vst v63  }
0x2d: {  	_ =	swait.ge [sflag:s23], $0x2000  }
0x2e: {  	[sflag:s23] =	ssyncset.done $0x0  }
0x2f: {  	s9 =	simm.s32 $0x1000;
	[sflag:s23] =	ssyncadd.s32 $0xFFFFE000  }
0x30: {  	[spmem:s2] =	stream.indirect.scatter.add.f32 [tilespmem:s16], [sflag:$0x5], $0x80, s9, s15, $0xb8;
	[tilespmem:$0x1D900] =	vst v63  }
0x31: {  	_ =	swait.ge [sflag:s13], $0x2000  }
0x32: {  	[sflag:s13] =	ssyncset.done $0x0  }
0x33: {  	s7 =	simm.s32 $0x200;
	[sflag:s13] =	ssyncadd.s32 $0xFFFFE000  }
0x34: {  	[tilespmem:s16], [sflag:$0x1] =	stream.indirect.gather [hbm4b:s4+s15], $0x80, s7, s15, $0xb8;
	[tilespmem:$0x1D900] =	vst v63  }
0x35: {  	_ =	swait.ge [sflag:s24], $0x2000  }
0x36: {  	[sflag:s24] =	ssyncset.done $0x0  }
0x37: {  	s9 =	simm.s32 $0x1080;
	[sflag:s24] =	ssyncadd.s32 $0xFFFFE000  }
0x38: {  	[spmem:s2] =	stream.indirect.scatter.add.f32 [tilespmem:s18], [sflag:$0x5], $0x80, s9, s15, $0xb8;
	[tilespmem:$0x1D900] =	vst v63  }
0x39: {  	_ =	swait.ge [sflag:s13], $0x2000  }
0x3a: {  	[sflag:s13] =	ssyncset.done $0x0  }
0x3b: {  	s7 =	simm.s32 $0x280;
	[sflag:s13] =	ssyncadd.s32 $0xFFFFE000  }
0x3c: {  	[tilespmem:s18], [sflag:$0x2] =	stream.indirect.gather [hbm4b:s4+s15], $0x80, s7, s15, $0xb8;
	[tilespmem:$0x1D900] =	vst v63  }
0x3d: {  	_ =	swait.ge [sflag:s25], $0x2000  }
0x3e: {  	[sflag:s25] =	ssyncset.done $0x0  }
0x3f: {  	s9 =	simm.s32 $0x1100;
	[sflag:s25] =	ssyncadd.s32 $0xFFFFE000  }
0x40: {  	[spmem:s2] =	stream.indirect.scatter.add.f32 [tilespmem:s20], [sflag:$0x5], $0x80, s9, s15, $0xb8;
	[tilespmem:$0x1D900] =	vst v63  }
0x41: {  	_ =	swait.ge [sflag:s13], $0x2000  }
0x42: {  	[sflag:s13] =	ssyncset.done $0x0  }
0x43: {  	s7 =	simm.s32 $0x300;
	[sflag:s13] =	ssyncadd.s32 $0xFFFFE000  }
0x44: {  	[tilespmem:s20], [sflag:$0x3] =	stream.indirect.gather [hbm4b:s4+s15], $0x80, s7, s15, $0xb8;
	[tilespmem:$0x1D900] =	vst v63  }
0x45: {  	_ =	swait.ge [sflag:s26], $0x2000  }
0x46: {  	[sflag:s26] =	ssyncset.done $0x0  }
0x47: {  	s9 =	simm.s32 $0x1180;
	[sflag:s26] =	ssyncadd.s32 $0xFFFFE000  }
0x48: {  	[spmem:s2] =	stream.indirect.scatter.add.f32 [tilespmem:s22], [sflag:$0x5], $0x80, s9, s15, $0xb8;
	[tilespmem:$0x1D900] =	vst v63  }
0x49: {  	_ =	swait.ge [sflag:s13], $0x2000  }
0x4a: {  	[sflag:s13] =	ssyncset.done $0x0  }
0x4b: {  	s1 =	simm.s32 $0x800;
	s7 =	simm.s32 $0x380;
	[sflag:s13] =	ssyncadd.s32 $0xFFFFE000  }
.LBB2_3:
0x4c: {  	[tilespmem:s22], [sflag:$0x4] =	stream.indirect.gather [hbm4b:s4+s15], $0x80, s7, s15, $0xb8;
	[tilespmem:$0x1D900] =	vst v63  }
0x4d: {  	s7 =	smov.u32 s1  }
0x4e: {  	p1 =	sne.s32 s1, $0x3000;
	s1 =	sadd.s32 $0x800, s1;
	_ =	swait.ge [sflag:s23], $0x2000  }
0x4f: {  	s7 =	sshra.s32 s7, $0x2;
	[sflag:s23] =	ssyncset.done $0x0  }
0x50: {  	s9 =	sadd.s32 $0x1000, s7;
	[sflag:s23] =	ssyncadd.s32 $0xFFFFE000  }
0x51: {  	[spmem:s2] =	stream.indirect.scatter.add.f32 [tilespmem:s16], [sflag:$0x5], $0x80, s9, s15, $0xb8;
	[tilespmem:$0x1D900] =	vst v63  }
0x52: {  	_ =	swait.ge [sflag:s13], $0x2000  }
0x53: {  	[sflag:s13] =	ssyncset.done $0x0  }
0x54: {  	s9 =	sadd.s32 $0x200, s7;
	[sflag:s13] =	ssyncadd.s32 $0xFFFFE000  }
0x55: {  	[tilespmem:s16], [sflag:$0x1] =	stream.indirect.gather [hbm4b:s4+s15], $0x80, s9, s15, $0xb8;
	[tilespmem:$0x1D900] =	vst v63  }
0x56: {  	_ =	swait.ge [sflag:s24], $0x2000  }
0x57: {  	[sflag:s24] =	ssyncset.done $0x0  }
0x58: {  	s9 =	sadd.s32 $0x1080, s7;
	[sflag:s24] =	ssyncadd.s32 $0xFFFFE000  }
0x59: {  	[spmem:s2] =	stream.indirect.scatter.add.f32 [tilespmem:s18], [sflag:$0x5], $0x80, s9, s15, $0xb8;
	[tilespmem:$0x1D900] =	vst v63  }
0x5a: {  	_ =	swait.ge [sflag:s13], $0x2000  }
0x5b: {  	[sflag:s13] =	ssyncset.done $0x0  }
0x5c: {  	s9 =	sadd.s32 $0x280, s7;
	[sflag:s13] =	ssyncadd.s32 $0xFFFFE000  }
0x5d: {  	[tilespmem:s18], [sflag:$0x2] =	stream.indirect.gather [hbm4b:s4+s15], $0x80, s9, s15, $0xb8;
	[tilespmem:$0x1D900] =	vst v63  }
0x5e: {  	_ =	swait.ge [sflag:s25], $0x2000  }
0x5f: {  	[sflag:s25] =	ssyncset.done $0x0  }
0x60: {  	s9 =	sadd.s32 $0x1100, s7;
	[sflag:s25] =	ssyncadd.s32 $0xFFFFE000  }
0x61: {  	[spmem:s2] =	stream.indirect.scatter.add.f32 [tilespmem:s20], [sflag:$0x5], $0x80, s9, s15, $0xb8;
	[tilespmem:$0x1D900] =	vst v63  }
0x62: {  	_ =	swait.ge [sflag:s13], $0x2000  }
0x63: {  	[sflag:s13] =	ssyncset.done $0x0  }
0x64: {  	s9 =	sadd.s32 $0x300, s7;
	[sflag:s13] =	ssyncadd.s32 $0xFFFFE000  }
0x65: {  	[tilespmem:s20], [sflag:$0x3] =	stream.indirect.gather [hbm4b:s4+s15], $0x80, s9, s15, $0xb8;
	[tilespmem:$0x1D900] =	vst v63  }
0x66: {  	_ =	swait.ge [sflag:s26], $0x2000  }
0x67: {  	[sflag:s26] =	ssyncset.done $0x0  }
.Ltmp0:
0x68: {  	s9 =	sadd.s32 $0x1180, s7;
	[sflag:s26] =	ssyncadd.s32 $0xFFFFE000;
	(pc) =	sbr.rel @p1 .LBB2_3-.Ltmp0, $4  }
0x69: {  	[spmem:s2] =	stream.indirect.scatter.add.f32 [tilespmem:s22], [sflag:$0x5], $0x80, s9, s15, $0xb8;
	[tilespmem:$0x1D900] =	vst v63  }
0x6a: {  	_ =	swait.ge [sflag:s13], $0x2000  }
0x6b: {  	[sflag:s13] =	ssyncset.done $0x0  }
0x6c: {  	s7 =	sadd.s32 $0x380, s7;
	[sflag:s13] =	ssyncadd.s32 $0xFFFFE000  }
0x6d: {  	[tilespmem:s22], [sflag:$0x4] =	stream.indirect.gather [hbm4b:s4+s15], $0x80, s7, s15, $0xb8;
	[tilespmem:$0x1D900] =	vst v63  }
0x6e: {  	_ =	swait.ge [sflag:s23], $0x2000  }
0x6f: {  	[sflag:s23] =	ssyncset.done $0x0  }
0x70: {  	[sflag:s23] =	ssyncadd.s32 $0xFFFFE000  }
0x71: {  	[spmem:s2] =	stream.indirect.scatter.add.f32 [tilespmem:s16], [sflag:$0x5], $0x80, s28, s15, $0xb8;
	[tilespmem:$0x1D900] =	vst v63  }
0x72: {  	_ =	swait.ge [sflag:s13], $0x2000  }
0x73: {  	[sflag:s13] =	ssyncset.done $0x0  }
0x74: {  	[sflag:s13] =	ssyncadd.s32 $0xFFFFE000  }
0x75: {  	_ =	swait.ge [sflag:s24], $0x2000  }
0x76: {  	[sflag:s24] =	ssyncset.done $0x0  }
0x77: {  	[sflag:s24] =	ssyncadd.s32 $0xFFFFE000  }
0x78: {  	[spmem:s2] =	stream.indirect.scatter.add.f32 [tilespmem:s18], [sflag:$0x5], $0x80, s29, s15, $0xb8;
	[tilespmem:$0x1D900] =	vst v63  }
0x79: {  	_ =	swait.ge [sflag:s13], $0x2000  }
0x7a: {  	[sflag:s13] =	ssyncset.done $0x0  }
0x7b: {  	[sflag:s13] =	ssyncadd.s32 $0xFFFFE000  }
0x7c: {  	_ =	swait.ge [sflag:s25], $0x2000  }
0x7d: {  	[sflag:s25] =	ssyncset.done $0x0  }
0x7e: {  	[sflag:s25] =	ssyncadd.s32 $0xFFFFE000  }
0x7f: {  	[spmem:s2] =	stream.indirect.scatter.add.f32 [tilespmem:s20], [sflag:$0x5], $0x80, s30, s15, $0xb8;
	[tilespmem:$0x1D900] =	vst v63  }
0x80: {  	_ =	swait.ge [sflag:s13], $0x2000  }
0x81: {  	[sflag:s13] =	ssyncset.done $0x0  }
0x82: {  	[sflag:s13] =	ssyncadd.s32 $0xFFFFE000  }
0x83: {  	s0 =	sadd.s32 $0x1, s0;
	_ =	swait.ge [sflag:s26], $0x2000  }
0x84: {  	p1 =	sne.s32 s0, $0xA;
	[sflag:s26] =	ssyncset.done $0x0  }
.Ltmp1:
0x85: {  	[sflag:s26] =	ssyncadd.s32 $0xFFFFE000;
	(pc) =	sbr.rel @p1 .LBB2_2-.Ltmp1, $4  }
0x86: {  	[spmem:s2] =	stream.indirect.scatter.add.f32 [tilespmem:s22], [sflag:$0x5], $0x80, s31, s15, $0xb8;
	[tilespmem:$0x1D900] =	vst v63  }
0x87: {  	_ =	swait.ge [sflag:s13], $0x2000  }
0x88: {  	[sflag:s13] =	ssyncset.done $0x0  }
0x89: {  	[sflag:s13] =	ssyncadd.s32 $0xFFFFE000  }
0x8a: {  	[bflag:$0x0] =	sbarrier.arrive $0xFFFF;
	s3 =	sadd.s32 $0x1, s3  }
0x8b: {  	s0 =	rddreg [dreg:$0x4];
	p1 =	sne.s32 s3, s10  }
0x8c: {  	[hbm:s0], [sflag:s11] =	dma.local @!p0 [spmem:s12], $0x3E80  }
.Ltmp2:
0x8d: {  	_ = 	snop;
	(pc) =	sbr.rel @p1 .LBB2_1-.Ltmp2, $4  }
0x8e: {  	s0 =	simm.s32 @!p0 $0x5  }
0x8f: {  	_ =	swait.ge @!p0 [sflag:s0], $0x3E80  }
0x90: {  	[sflag:s0] =	ssyncset.done @!p0 $0x0  }
0x91: {  	[sflag:s0] =	ssyncadd.s32 @!p0 $0xFFFFC180  }
0x92: {  	_ =	sfence.sel $0x180000  }
0x93: {  	[bflag:$0x0] =	sbarrier.arrive $0xFFFF  }
0x94: {  	_ =	strace $0x9000004A  }
0x95: {  	s0 =	stileid.u32;
	[bflag:$0x2] =	sbarrier.arrive $0xFFFF  }
0x96: {  	p0 =	sne.s32 s0, $0x0;
	s0 =	rddreg [dreg:$0x2]  }
0x97: {  	s0 =	sadd.s32 @!p0 $0x100000, s0  }
0x98: {  	[sflag:s0] =	ssyncadd.tile.s32 @!p0 $0x1;
	_ =	shalt  }
.Lfunc_end2:
_tile_overlayer_lowered:
.L_overlay_start_2:
0x99: {  	(tag) =	ssettag $0x2  }
0x9a: {  	s0 =	rddreg [dreg:$0x0];
	s2 =	stileid.u32  }
0x9b: {  	s1 =	rddreg [dreg:$0x1];
	p0 =	sne.s32 s2, $0x0  }
0x9c: {  	s3 =	rddreg [dreg:$0x2];
	[bflag:$0x3] =	sbarrier.arrive $0xFFFF;
	s2 =	simm.s32 @!p0 $0x1C05  }
0x9d: {  	[timem:s3], [sflag:s2] =	dma.local @!p0 [hbm:s0], s1  }
0x9e: {  	s0 =	simm.s32 @!p0 $0x5  }
0x9f: {  	_ =	swait.ge @!p0 [sflag:s0], s1  }
0xa0: {  	s1 =	ssub.s32 @!p0 $0x0, s1;
	[sflag:s0] =	ssyncset.done @!p0 $0x0  }
0xa1: {  	[sflag:s0] =	ssyncadd.s32 @!p0 s1  }
0xa2: {  	[bflag:$0x3] =	sbarrier.arrive $0xFFFF  }
0xa3: {  	_ =	shalt  }

// kernel: kernel.15.cloned.1.call-start
scs
__scs_entry_jumppad:
0x0: {  	(pc) =	sbr.rel $0x88, $3  }
0x1: {  	(tag) =	ssettag $0x0;
	lr =	simm.s32 $0x1  }
0x2: {  	[smem:$0x3F96] =	sst lr;
	_ =	strace $0xD0000000  }
0x3: {  	_ = 	snop  }
0x4: {  	_ = 	snop  }
0x5: {  	_ = 	snop  }
0x6: {  	_ = 	snop  }
0x7: {  	_ = 	snop  }
__scs_overlays_trampoline_lowered:
0x8: {  	[smem:$0x3FA5] =	sst s0  }
0x9: {  	[smem:$0x3FA6] =	sst s1  }
0xa: {  	[smem:$0x3FA7] =	sst s2  }
0xb: {  	[smem:$0x3FA8] =	sst s3  }
0xc: {  	[smem:$0x3FA9] =	sst s4  }
0xd: {  	[smem:$0x3FAA] =	sst s5  }
0xe: {  	[smem:$0x3FAB] =	sst s6  }
0xf: {  	[smem:$0x3FAC] =	sst s7  }
0x10: {  	[smem:$0x3FAD] =	sst s8  }
0x11: {  	[smem:$0x3FAE] =	sst s9;
	s0 =	simm.s32 @!p0 $0x0  }
0x12: {  	s1 =	sld [smem:$0x3F94];
	s0 =	simm.s32 @p0 $0x1  }
0x13: {  	[smem:$0x3FAF] =	sst s0;
	s0 =	simm.s32 @!p1 $0x0  }
0x14: {  	s2 =	sld [smem:$0x3F93];
	s0 =	simm.s32 @p1 $0x1  }
0x15: {  	[smem:$0x3FB0] =	sst s0;
	s0 =	simm.s32 @!p2 $0x0  }
0x16: {  	s3 =	sld [smem:$0x3FDB];
	s0 =	simm.s32 @p2 $0x1  }
0x17: {  	s4 =	simm.s32 $0x1BF5;
	[smem:$0x3FB2] =	sst s0  }
0x18: {  	s0 =	sld [smem:$0x3F95];
	_ =	swait.ge [sflag:s4], $0x0  }
0x19: {  	s7 =	sld [smem:$0x3F96]  }
0x1a: {  	s8 =	sadd.s32 $0xFFFFE003, lr  }
0x1b: {  	s9 =	sadd.s32 $0xFFFFFEF7, lr;
	s5 =	simm.s32 $0xFFFFFFFF;
	p2 =	slt.u32 s8, $0xFFFFF086  }
0x1c: {  	p1 =	slt.u32 s9, $0xF7A;
	s5 =	simm.s32 @!p2 $0x0  }
0x1d: {  	s5 =	simm.s32 @p1 $0x1;
	p0 =	seq.s32 s7, s2  }
0x1e: {  	s7 =	smul.u32 @!p0 $0xF7A, s2;
	p2 =	seq.s32 @!p0 s5, $0x0  }
0x1f: {  	s9 =	smul.u32 $0xF7A, s1;
	s8 =	simm.s32 @!p0 $0x1BF5;
	p2 =	por !p2, p0  }
0x20: {  	[sflag:s8] =	ssyncset.s32 @!p0 $0xFFFFF086;
	s6 =	sadd.s32 @!p0 s3, s7;
	s7 =	simm.s32 @!p0 $0x108  }
0x21: {  	s3 =	sadd.s32 s3, s9;
	s6 =	sadd.s32 @!p0 $0x88, s6;
	s7 =	simm.s32 @p2 $0x1082  }
0x22: {  	[simem:s7], [sflag:s8] =	dma.local @!p0 [hbm:s6], $0xF7A  }
0x23: {  	s9 =	sor.u32 $0xD0000000, s2;
	s6 =	simm.s32 $0x108;
	_ =	swait.ge @!p0 [sflag:s8], $0x0  }
0x24: {  	s3 =	sadd.s32 $0x88, s3;
	s6 =	simm.s32 @!p1 $0x1082;
	[sflag:s4] =	ssyncset.s32 $0xFFFFF086  }
0x25: {  	[simem:s6], [sflag:s4] =	dma.local [hbm:s3], $0xF7A  }
0x26: {  	[smem:$0x3F96] =	sst s1;
	(tag) =	ssettag s2;
	_ =	strace s9  }
0x27: {  	s1 =	sld [smem:$0x3FA6]  }
0x28: {  	s2 =	sld [smem:$0x3FA7]  }
0x29: {  	s4 =	sld [smem:$0x3FA9]  }
0x2a: {  	p0 =	seq.s32 s5, $0x0;
	s5 =	sld [smem:$0x3FAA]  }
0x2b: {  	s6 =	sld [smem:$0x3FAB]  }
0x2c: {  	s7 =	sld [smem:$0x3FAC]  }
0x2d: {  	s3 =	simm.s32 $0x108;
	s8 =	sld [smem:$0x3FAD]  }
0x2e: {  	s3 =	simm.s32 @!p0 $0x1082;
	s9 =	sld [smem:$0x3FAE]  }
0x2f: {  	lr =	sadd.s32 s0, s3;
	s0 =	sld [smem:$0x3FA5]  }
0x30: {  	s3 =	sld [smem:$0x3FA8]  }
0x31: {  	[smem:$0x3FB1] =	sst s10  }
0x32: {  	s10 =	sld [smem:$0x3FAF];
	_ =	sdelay $0x3  }
0x33: {  	p0 =	seq.s32 s10, $0x1;
	s10 =	sld [smem:$0x3FB1];
	_ =	sdelay $0x3  }
0x34: {  	[smem:$0x3FB1] =	sst s10  }
0x35: {  	s10 =	sld [smem:$0x3FB0];
	_ =	sdelay $0x3  }
0x36: {  	p1 =	seq.s32 s10, $0x1;
	s10 =	sld [smem:$0x3FB1];
	_ =	sdelay $0x3  }
0x37: {  	[smem:$0x3FB1] =	sst s10  }
0x38: {  	s10 =	sld [smem:$0x3FB2]  }
0x39: {  	_ = 	snop;
	(pc) =	sbr.ind lr, $3  }
0x3a: {  	_ = 	snop  }
0x3b: {  	_ = 	snop  }
0x3c: {  	p2 =	seq.s32 s10, $0x1;
	s10 =	sld [smem:$0x3FB1]  }
0x3d: {  	_ =	shalt  }
0x3e: {  	_ =	shalt  }
0x3f: {  	_ =	shalt  }
0x40: {  	_ =	shalt  }
0x41: {  	_ =	shalt  }
0x42: {  	_ =	shalt  }
0x43: {  	_ =	shalt  }
0x44: {  	_ =	shalt  }
0x45: {  	_ =	shalt  }
0x46: {  	_ =	shalt  }
0x47: {  	_ =	shalt  }
0x48: {  	_ =	shalt  }
0x49: {  	_ =	shalt  }
0x4a: {  	_ =	shalt  }
0x4b: {  	_ =	shalt  }
0x4c: {  	_ =	shalt  }
0x4d: {  	_ =	shalt  }
0x4e: {  	_ =	shalt  }
0x4f: {  	_ =	shalt  }
0x50: {  	_ =	shalt  }
0x51: {  	_ =	shalt  }
0x52: {  	_ =	shalt  }
0x53: {  	_ =	shalt  }
0x54: {  	_ =	shalt  }
0x55: {  	_ =	shalt  }
0x56: {  	_ =	shalt  }
0x57: {  	_ =	shalt  }
0x58: {  	_ =	shalt  }
0x59: {  	_ =	shalt  }
0x5a: {  	_ =	shalt  }
0x5b: {  	_ =	shalt  }
0x5c: {  	_ =	shalt  }
0x5d: {  	_ =	shalt  }
0x5e: {  	_ =	shalt  }
0x5f: {  	_ =	shalt  }
0x60: {  	_ =	shalt  }
0x61: {  	_ =	shalt  }
0x62: {  	_ =	shalt  }
0x63: {  	_ =	shalt  }
0x64: {  	_ =	shalt  }
0x65: {  	_ =	shalt  }
0x66: {  	_ =	shalt  }
0x67: {  	_ =	shalt  }
0x68: {  	_ =	shalt  }
0x69: {  	_ =	shalt  }
0x6a: {  	_ =	shalt  }
0x6b: {  	_ =	shalt  }
0x6c: {  	_ =	shalt  }
0x6d: {  	_ =	shalt  }
0x6e: {  	_ =	shalt  }
0x6f: {  	_ =	shalt  }
0x70: {  	_ =	shalt  }
0x71: {  	_ =	shalt  }
0x72: {  	_ =	shalt  }
0x73: {  	_ =	shalt  }
0x74: {  	_ =	shalt  }
0x75: {  	_ =	shalt  }
0x76: {  	_ =	shalt  }
0x77: {  	_ =	shalt  }
0x78: {  	_ =	shalt  }
0x79: {  	_ =	shalt  }
0x7a: {  	_ =	shalt  }
0x7b: {  	_ =	shalt  }
0x7c: {  	_ =	shalt  }
0x7d: {  	_ =	shalt  }
0x7e: {  	_ =	shalt  }
0x7f: {  	_ =	shalt  }
0x80: {  	_ =	shalt  }
0x81: {  	_ =	shalt  }
0x82: {  	_ =	shalt  }
0x83: {  	_ =	shalt  }
0x84: {  	_ =	shalt  }
0x85: {  	_ =	shalt  }
0x86: {  	_ =	shalt  }
0x87: {  	_ =	shalt  }
.Lfunc_end0:
.L_simem_size_0:
called_computation.2_lowered:
.L_overlay_start_0:
0x88: {  	s2 =	sld [smem:$0x3FD9]  }
0x89: {  	s3 =	sld [smem:$0x3FFE];
	_ =	sdelay $0x1  }
0x8a: {  	s1 =	srdreg.scid  }
0x8b: {  	s0 =	sand.u32 $0x1, s1  }
0x8c: {  	s16 =	sshll.u32 s0, $0xA;
	s2 =	sadd.s32 s3, s2  }
0x8d: {  	s2 =	sadd.s32 s2, s16  }
0x8e: {  	[smem:$0x3FBD] =	sst s2  }
0x8f: {  	_ = 	snop  }
0x90: {  	(tm) =	ssettm $0x1  }
0x91: {  	s17 =	sld [smem:$0x3FFB];
	_ =	sdelay $0x3  }
0x92: {  	_ =	strace s17  }
0x93: {  	s2 =	sld [smem:$0x3FFC];
	_ =	sdelay $0x3  }
0x94: {  	_ =	strace s2  }
0x95: {  	s2 =	sld [smem:$0x3FFD];
	_ =	sdelay $0x3  }
0x96: {  	_ =	strace s2  }
0x97: {  	_ =	strace $0x8FFFFFFF  }
0x98: {  	s18 =	sld [smem:$0x3FDB];
	_ =	sdelay $0x1  }
0x99: {  	s19 =	simm.s32 $_scs_section_size  }
0x9a: {  	s4 =	simm.s32 $_size__tile_overlayer_lowered;
	s5 =	simm.s32 $_tile_overlayer_lowered  }
0x9b: {  	s22 =	simm.s32 $0x1BFF;
	s21 =	sshll.u32 s5, $0x1;
	s2 =	sadd.s32 s19, s18  }
0x9c: {  	s6 =	simm.s32 $0x0;
	s20 =	sshll.u32 s4, $0x1;
	s4 =	sadd.s32 s21, s2  }
0x9d: {  	[timem:s6], [sflag:s22] =	dma.local [hbm:s4], s20  }
0x9e: {  	_ =	swait.ge [sflag:s22], s20  }
0x9f: {  	s3 =	ssub.s32 $0x0, s20;
	[sflag:s22] =	ssyncset.done $0x0  }
0xa0: {  	[sflag:s22] =	ssyncadd.s32 s3;
	_ =	sdelay $0x1  }
0xa1: {  	s23 =	simm.s32 $0x1B8B  }
0xa2: {  	_ =	swait.ge [sflag:s23], $0x1  }
0xa3: {  	[sflag:s23] =	ssyncset.done $0x0  }
0xa4: {  	s25 =	simm.s32 $0x1B8E;
	s24 =	sld [smem:$0x3FFE];
	[sflag:s23] =	ssyncadd.s32 $0xFFFFFFFF  }
0xa5: {  	s26 =	simm.s32 $execute0_lowered;
	[smem:$0x3FD2] =	sst s25  }
0xa6: {  	s4 =	sshll.u32 s26, $0x1;
	_ =	strace $0x8000004C;
	[dreg:$0x1] =	wrdreg $0xFFFFFFFF  }
0xa7: {  	s28 =	simm.s32 $_size_execute0_lowered;
	s2 =	sadd.s32 s2, s4;
	[dreg:$0x0] =	wrdreg $0x0  }
0xa8: {  	s4 =	sshll.u32 s28, $0x1;
	[dreg:$0x2] =	wrdreg s2  }
0xa9: {  	[dreg:$0x3] =	wrdreg s4  }
0xaa: {  	[dreg:$0x4] =	wrdreg $0xC0  }
0xab: {  	_ =	task [dreg:s6], $0x5FFFF  }
0xac: {  	[dreg:$0x1] =	wrdreg $0xFFFFFFFF  }
0xad: {  	[dreg:$0x0] =	wrdreg $0x60  }
0xae: {  	[dreg:$0x2] =	wrdreg s24  }
0xaf: {  	[dreg:$0x3] =	wrdreg $0x9  }
0xb0: {  	_ =	task.clear_ibuf [dreg:s6], $0x4FFFF;
	_ =	strace $0x9000004C  }
0xb1: {  	s29 =	simm.s32 $0x9;
	_ =	strace $0x8000004E  }
0xb2: {  	_ =	swait.ge [sflag:s29], $0x1  }
0xb3: {  	[sflag:s29] =	ssyncadd.s32 $0xFFFFFFFF  }
0xb4: {  	_ =	strace $0x9000004E  }
0xb5: {  	_ =	sfence  }
0xb6: {  	s30 =	sld [smem:$0x0];
	_ =	sdelay $0x2  }
0xb7: {  	s31 =	sshll.u32 s1, $0xD;
	s1 =	sshrl.u32 s1, $0x2  }
0xb8: {  	s3 =	sand.u32 $0x4000, s31;
	s1 =	sadd.s32 s1, s30  }
0xb9: {  	s0 =	sor.u32 s3, s0;
	s1 =	sshll.u32 s1, $0x11  }
0xba: {  	s0 =	sor.u32 s1, s0  }
0xbb: {  	s0 =	sadd.s32 $0x8F2B, s0  }
0xbc: {  	[sflag:s0] =	ssyncadd.remote.s32 $0x1  }
0xbd: {  	_ =	sfence.sel $0xFFFF  }
0xbe: {  	[dreg:$0x0] =	wrdreg $0xFFFFFFFF;
	(pc) =	sbr.abs _section_cstart, $3  }
0xbf: {  	[dreg:$0x1] =	wrdreg $0xFFFFFFFF  }
0xc0: {  	_ =	task.clear_ibuf [dreg:s6], $0x2FFFF;
	_ =	strace $0x9FFFFFFF  }
0xc1: {  	(tm) =	ssettm $0x7FFFFFFF  }
tec
execute0_lowered:
.L_overlay_start_1:
0x0: {  	(tag) =	ssettag $0x1  }
0x1: {  	s4 =	rddreg [dreg:$0x0]  }
0x2: {  	s0 =	rddreg [dreg:$0x1];
	s2 =	simm.s32 $0x0;
	s3 =	srdreg.scid  }
0x3: {  	s1 =	stileid.u32;
	s10 =	simm.s32 $0x0;
	[smem:$0x7FF] =	sst s2  }
0x4: {  	s5 =	sand.u32 $0x1, s3;
	s6 =	sshll.u32 s1, $0xB;
	s3 =	sadd.s32 $0x3800, s4  }
0x5: {  	s8 =	sshll.u32 s1, $0xF;
	_ =	strace $0x8000004D;
	s7 =	sshll.u32 s5, $0xA  }
0x6: {  	s31 =	ssub.s32 $0x2, s5;
	s8 =	sadd.s32 s8, s4;
	s5 =	sshll.u32 s5, $0xE  }
0x7: {  	s6 =	sor.u32 s7, s6;
	s9 =	sshrl.u32 s31, $0x1;
	s5 =	sadd.s32 s5, s8  }
0x8: {  	s8 =	simm.s32 $0x80;
	s6 =	sshrl.u32 s6, $0x3;
	s7 =	ssub.s32 s31, s9  }
0x9: {  	s5 =	sadd.s32 $0x51A00, s5;
	s9 =	simm.s32 $0x1;
	s6 =	sadd.s32 s6, s4  }
0xa: {  	s4 =	smax.u32 s7, $0x1;
	s7 =	simm.s32 $0x2;
	s6 =	sadd.s32 $0x116E00, s6  }
.LBB2_1:
0xb: {  	s11 =	sadd.s32 $0x0, s6  }
0xc: {  	[tilespmem:s2], [sflag:$0x2] =	stream.linear.gather [hbm4b:s11+s2], $0x80, $0x38;
	[tilespmem:$0x4080] =	vst v63  }
0xd: {  	_ =	swait.ge [sflag:s7], $0x80  }
0xe: {  	[sflag:s7] =	ssyncset.done $0x0  }
0xf: {  	[sflag:s7] =	ssyncadd.s32 $0xFFFFFF80  }
0x10: {  	[tilespmem:s8], [sflag:$0x1] =	stream.indirect.gather [hbm4b:s3+s8], $0x80, s2, s8, $0xb8;
	[tilespmem:$0x4080] =	vst v63  }
0x11: {  	_ =	swait.ge [sflag:s9], $0x4000  }
0x12: {  	[sflag:s9] =	ssyncset.done $0x0  }
0x13: {  	[sflag:s9] =	ssyncadd.s32 $0xFFFFC000  }
0x14: {  	[hbm4b:s5+s2] =	stream.linear.scatter [tilespmem:s8], [sflag:$0x2], $0x4000, $0x38;
	[tilespmem:$0x4080] =	vst v63  }
0x15: {  	s12 =	simm.s32 $0x10;
	_ =	swait.ge [sflag:s7], $0x4000  }
0x16: {  	s13 =	simm.s32 $0x20;
	s11 =	sadd.s32 $0x800, s5;
	[sflag:s7] =	ssyncset.done $0x0  }
.LBB2_2:
0x17: {  	s14 =	sadd.s32 s12, s6  }
0x18: {  	[sflag:s7] =	ssyncadd.s32 $0xFFFFC000;
	s12 =	smov.u32 s13;
	s15 =	sadd.s32 $0x10, s13  }
0x19: {  	[tilespmem:s2], [sflag:$0x2] =	stream.linear.gather [hbm4b:s14+s2], $0x80, $0x38;
	[tilespmem:$0x4080] =	vst v63  }
0x1a: {  	p0 =	sne.s32 s13, $0x70;
	_ =	swait.ge [sflag:s7], $0x80  }
0x1b: {  	[sflag:s7] =	ssyncset.done $0x0  }
0x1c: {  	[sflag:s7] =	ssyncadd.s32 $0xFFFFFF80  }
0x1d: {  	[tilespmem:s8], [sflag:$0x1] =	stream.indirect.gather [hbm4b:s3+s8], $0x80, s2, s8, $0xb8;
	[tilespmem:$0x4080] =	vst v63  }
0x1e: {  	_ =	swait.ge [sflag:s9], $0x4000  }
.Ltmp0:
0x1f: {  	[sflag:s9] =	ssyncset.done $0x0;
	(pc) =	sbr.rel @p0 .LBB2_2-.Ltmp0, $4  }
0x20: {  	[sflag:s9] =	ssyncadd.s32 $0xFFFFC000  }
0x21: {  	[hbm4b:s11+s2] =	stream.linear.scatter [tilespmem:s8], [sflag:$0x2], $0x4000, $0x38;
	[tilespmem:$0x4080] =	vst v63  }
0x22: {  	_ =	swait.ge [sflag:s7], $0x4000  }
0x23: {  	s13 =	smov.u32 s15;
	s11 =	sadd.s32 $0x800, s11;
	[sflag:s7] =	ssyncset.done $0x0  }
0x24: {  	s12 =	sadd.s32 s12, s6;
	[sflag:s7] =	ssyncadd.s32 $0xFFFFC000  }
0x25: {  	[tilespmem:s2], [sflag:$0x2] =	stream.linear.gather [hbm4b:s12+s2], $0x80, $0x38;
	[tilespmem:$0x4080] =	vst v63  }
0x26: {  	_ =	swait.ge [sflag:s7], $0x80  }
0x27: {  	[sflag:s7] =	ssyncset.done $0x0  }
0x28: {  	[sflag:s7] =	ssyncadd.s32 $0xFFFFFF80  }
0x29: {  	[tilespmem:s8], [sflag:$0x1] =	stream.indirect.gather [hbm4b:s3+s8], $0x80, s2, s8, $0xb8;
	[tilespmem:$0x4080] =	vst v63  }
0x2a: {  	s10 =	sadd.s32 $0x1, s10;
	_ =	swait.ge [sflag:s9], $0x4000  }
0x2b: {  	p0 =	sne.s32 s10, s4;
	[sflag:s9] =	ssyncset.done $0x0  }
.Ltmp1:
0x2c: {  	[sflag:s9] =	ssyncadd.s32 $0xFFFFC000;
	(pc) =	sbr.rel @p0 .LBB2_1-.Ltmp1, $4  }
0x2d: {  	[hbm4b:s11+s2] =	stream.linear.scatter [tilespmem:s8], [sflag:$0x2], $0x4000, $0x38;
	[tilespmem:$0x4080] =	vst v63  }
0x2e: {  	_ =	swait.ge [sflag:s7], $0x4000  }
0x2f: {  	[sflag:s7] =	ssyncset.done $0x0  }
0x30: {  	[sflag:s7] =	ssyncadd.s32 $0xFFFFC000  }
0x31: {  	_ =	sfence.sel $0x180000  }
0x32: {  	[bflag:$0x0] =	sbarrier.arrive $0xFFFF  }
0x33: {  	p0 =	sne.s32 s1, $0x0;
	_ =	strace $0x9000004D  }
0x34: {  	s0 =	sadd.s32 @!p0 $0x100000, s0;
	[bflag:$0x2] =	sbarrier.arrive $0xFFFF  }
0x35: {  	[sflag:s0] =	ssyncadd.tile.s32 @!p0 $0x1;
	_ =	shalt  }
.Lfunc_end2:
_tile_overlayer_lowered:
.L_overlay_start_2:
0x36: {  	(tag) =	ssettag $0x2  }
0x37: {  	s0 =	rddreg [dreg:$0x0];
	s2 =	stileid.u32  }
0x38: {  	s1 =	rddreg [dreg:$0x1];
	p0 =	sne.s32 s2, $0x0  }
0x39: {  	s3 =	rddreg [dreg:$0x2];
	[bflag:$0x3] =	sbarrier.arrive $0xFFFF;
	s2 =	simm.s32 @!p0 $0x1C02  }
0x3a: {  	[timem:s3], [sflag:s2] =	dma.local @!p0 [hbm:s0], s1  }
0x3b: {  	s0 =	simm.s32 @!p0 $0x2  }
0x3c: {  	_ =	swait.ge @!p0 [sflag:s0], s1  }
0x3d: {  	s1 =	ssub.s32 @!p0 $0x0, s1;
	[sflag:s0] =	ssyncset.done @!p0 $0x0  }
0x3e: {  	[sflag:s0] =	ssyncadd.s32 @!p0 s1  }
0x3f: {  	[bflag:$0x3] =	sbarrier.arrive $0xFFFF  }
0x40: {  	_ =	shalt  }

// kernel: kernel.9.cloned.1.call-start
scs
__scs_entry_jumppad:
0x0: {  	(pc) =	sbr.rel $0x88, $3  }
0x1: {  	(tag) =	ssettag $0x0;
	lr =	simm.s32 $0x1  }
0x2: {  	[smem:$0x3F96] =	sst lr;
	_ =	strace $0xD0000000  }
0x3: {  	_ = 	snop  }
0x4: {  	_ = 	snop  }
0x5: {  	_ = 	snop  }
0x6: {  	_ = 	snop  }
0x7: {  	_ = 	snop  }
__scs_overlays_trampoline_lowered:
0x8: {  	[smem:$0x3FA5] =	sst s0  }
0x9: {  	[smem:$0x3FA6] =	sst s1  }
0xa: {  	[smem:$0x3FA7] =	sst s2  }
0xb: {  	[smem:$0x3FA8] =	sst s3  }
0xc: {  	[smem:$0x3FA9] =	sst s4  }
0xd: {  	[smem:$0x3FAA] =	sst s5  }
0xe: {  	[smem:$0x3FAB] =	sst s6  }
0xf: {  	[smem:$0x3FAC] =	sst s7  }
0x10: {  	[smem:$0x3FAD] =	sst s8  }
0x11: {  	[smem:$0x3FAE] =	sst s9;
	s0 =	simm.s32 @!p0 $0x0  }
0x12: {  	s1 =	sld [smem:$0x3F94];
	s0 =	simm.s32 @p0 $0x1  }
0x13: {  	[smem:$0x3FAF] =	sst s0;
	s0 =	simm.s32 @!p1 $0x0  }
0x14: {  	s2 =	sld [smem:$0x3F93];
	s0 =	simm.s32 @p1 $0x1  }
0x15: {  	[smem:$0x3FB0] =	sst s0;
	s0 =	simm.s32 @!p2 $0x0  }
0x16: {  	s3 =	sld [smem:$0x3FDB];
	s0 =	simm.s32 @p2 $0x1  }
0x17: {  	s4 =	simm.s32 $0x1BF5;
	[smem:$0x3FB2] =	sst s0  }
0x18: {  	s0 =	sld [smem:$0x3F95];
	_ =	swait.ge [sflag:s4], $0x0  }
0x19: {  	s7 =	sld [smem:$0x3F96]  }
0x1a: {  	s8 =	sadd.s32 $0xFFFFE003, lr  }
0x1b: {  	s9 =	sadd.s32 $0xFFFFFEF7, lr;
	s5 =	simm.s32 $0xFFFFFFFF;
	p2 =	slt.u32 s8, $0xFFFFF086  }
0x1c: {  	p1 =	slt.u32 s9, $0xF7A;
	s5 =	simm.s32 @!p2 $0x0  }
0x1d: {  	s5 =	simm.s32 @p1 $0x1;
	p0 =	seq.s32 s7, s2  }
0x1e: {  	s7 =	smul.u32 @!p0 $0xF7A, s2;
	p2 =	seq.s32 @!p0 s5, $0x0  }
0x1f: {  	s9 =	smul.u32 $0xF7A, s1;
	s8 =	simm.s32 @!p0 $0x1BF5;
	p2 =	por !p2, p0  }
0x20: {  	[sflag:s8] =	ssyncset.s32 @!p0 $0xFFFFF086;
	s6 =	sadd.s32 @!p0 s3, s7;
	s7 =	simm.s32 @!p0 $0x108  }
0x21: {  	s3 =	sadd.s32 s3, s9;
	s6 =	sadd.s32 @!p0 $0x88, s6;
	s7 =	simm.s32 @p2 $0x1082  }
0x22: {  	[simem:s7], [sflag:s8] =	dma.local @!p0 [hbm:s6], $0xF7A  }
0x23: {  	s9 =	sor.u32 $0xD0000000, s2;
	s6 =	simm.s32 $0x108;
	_ =	swait.ge @!p0 [sflag:s8], $0x0  }
0x24: {  	s3 =	sadd.s32 $0x88, s3;
	s6 =	simm.s32 @!p1 $0x1082;
	[sflag:s4] =	ssyncset.s32 $0xFFFFF086  }
0x25: {  	[simem:s6], [sflag:s4] =	dma.local [hbm:s3], $0xF7A  }
0x26: {  	[smem:$0x3F96] =	sst s1;
	(tag) =	ssettag s2;
	_ =	strace s9  }
0x27: {  	s1 =	sld [smem:$0x3FA6]  }
0x28: {  	s2 =	sld [smem:$0x3FA7]  }
0x29: {  	s4 =	sld [smem:$0x3FA9]  }
0x2a: {  	p0 =	seq.s32 s5, $0x0;
	s5 =	sld [smem:$0x3FAA]  }
0x2b: {  	s6 =	sld [smem:$0x3FAB]  }
0x2c: {  	s7 =	sld [smem:$0x3FAC]  }
0x2d: {  	s3 =	simm.s32 $0x108;
	s8 =	sld [smem:$0x3FAD]  }
0x2e: {  	s3 =	simm.s32 @!p0 $0x1082;
	s9 =	sld [smem:$0x3FAE]  }
0x2f: {  	lr =	sadd.s32 s0, s3;
	s0 =	sld [smem:$0x3FA5]  }
0x30: {  	s3 =	sld [smem:$0x3FA8]  }
0x31: {  	[smem:$0x3FB1] =	sst s10  }
0x32: {  	s10 =	sld [smem:$0x3FAF];
	_ =	sdelay $0x3  }
0x33: {  	p0 =	seq.s32 s10, $0x1;
	s10 =	sld [smem:$0x3FB1];
	_ =	sdelay $0x3  }
0x34: {  	[smem:$0x3FB1] =	sst s10  }
0x35: {  	s10 =	sld [smem:$0x3FB0];
	_ =	sdelay $0x3  }
0x36: {  	p1 =	seq.s32 s10, $0x1;
	s10 =	sld [smem:$0x3FB1];
	_ =	sdelay $0x3  }
0x37: {  	[smem:$0x3FB1] =	sst s10  }
0x38: {  	s10 =	sld [smem:$0x3FB2]  }
0x39: {  	_ = 	snop;
	(pc) =	sbr.ind lr, $3  }
0x3a: {  	_ = 	snop  }
0x3b: {  	_ = 	snop  }
0x3c: {  	p2 =	seq.s32 s10, $0x1;
	s10 =	sld [smem:$0x3FB1]  }
0x3d: {  	_ =	shalt  }
0x3e: {  	_ =	shalt  }
0x3f: {  	_ =	shalt  }
0x40: {  	_ =	shalt  }
0x41: {  	_ =	shalt  }
0x42: {  	_ =	shalt  }
0x43: {  	_ =	shalt  }
0x44: {  	_ =	shalt  }
0x45: {  	_ =	shalt  }
0x46: {  	_ =	shalt  }
0x47: {  	_ =	shalt  }
0x48: {  	_ =	shalt  }
0x49: {  	_ =	shalt  }
0x4a: {  	_ =	shalt  }
0x4b: {  	_ =	shalt  }
0x4c: {  	_ =	shalt  }
0x4d: {  	_ =	shalt  }
0x4e: {  	_ =	shalt  }
0x4f: {  	_ =	shalt  }
0x50: {  	_ =	shalt  }
0x51: {  	_ =	shalt  }
0x52: {  	_ =	shalt  }
0x53: {  	_ =	shalt  }
0x54: {  	_ =	shalt  }
0x55: {  	_ =	shalt  }
0x56: {  	_ =	shalt  }
0x57: {  	_ =	shalt  }
0x58: {  	_ =	shalt  }
0x59: {  	_ =	shalt  }
0x5a: {  	_ =	shalt  }
0x5b: {  	_ =	shalt  }
0x5c: {  	_ =	shalt  }
0x5d: {  	_ =	shalt  }
0x5e: {  	_ =	shalt  }
0x5f: {  	_ =	shalt  }
0x60: {  	_ =	shalt  }
0x61: {  	_ =	shalt  }
0x62: {  	_ =	shalt  }
0x63: {  	_ =	shalt  }
0x64: {  	_ =	shalt  }
0x65: {  	_ =	shalt  }
0x66: {  	_ =	shalt  }
0x67: {  	_ =	shalt  }
0x68: {  	_ =	shalt  }
0x69: {  	_ =	shalt  }
0x6a: {  	_ =	shalt  }
0x6b: {  	_ =	shalt  }
0x6c: {  	_ =	shalt  }
0x6d: {  	_ =	shalt  }
0x6e: {  	_ =	shalt  }
0x6f: {  	_ =	shalt  }
0x70: {  	_ =	shalt  }
0x71: {  	_ =	shalt  }
0x72: {  	_ =	shalt  }
0x73: {  	_ =	shalt  }
0x74: {  	_ =	shalt  }
0x75: {  	_ =	shalt  }
0x76: {  	_ =	shalt  }
0x77: {  	_ =	shalt  }
0x78: {  	_ =	shalt  }
0x79: {  	_ =	shalt  }
0x7a: {  	_ =	shalt  }
0x7b: {  	_ =	shalt  }
0x7c: {  	_ =	shalt  }
0x7d: {  	_ =	shalt  }
0x7e: {  	_ =	shalt  }
0x7f: {  	_ =	shalt  }
0x80: {  	_ =	shalt  }
0x81: {  	_ =	shalt  }
0x82: {  	_ =	shalt  }
0x83: {  	_ =	shalt  }
0x84: {  	_ =	shalt  }
0x85: {  	_ =	shalt  }
0x86: {  	_ =	shalt  }
0x87: {  	_ =	shalt  }
.Lfunc_end0:
.L_simem_size_0:
called_computation_lowered:
.L_overlay_start_0:
0x88: {  	s2 =	sld [smem:$0x3FD9]  }
0x89: {  	s3 =	sld [smem:$0x3FFE];
	_ =	sdelay $0x1  }
0x8a: {  	s1 =	srdreg.scid  }
0x8b: {  	s0 =	sand.u32 $0x1, s1  }
0x8c: {  	s14 =	sshll.u32 s0, $0xA;
	s2 =	sadd.s32 s3, s2  }
0x8d: {  	s2 =	sadd.s32 s2, s14  }
0x8e: {  	[smem:$0x3FBD] =	sst s2  }
0x8f: {  	_ = 	snop  }
0x90: {  	s2 =	sld [smem:$0x3FD0];
	_ =	sdelay $0x2  }
0x91: {  	s15 =	simm.s32 $0xA;
	s4 =	simm.s32 $0x10  }
0x92: {  	[smem:s4], [sflag:s15] =	dma.local [hbm:s2], $0x1  }
0x93: {  	_ =	swait.eq [sflag:s15], $0x1  }
0x94: {  	[sflag:s15] =	ssyncset.done $0x0  }
0x95: {  	[sflag:s15] =	ssyncadd.s32 $0xFFFFFFFF  }
0x96: {  	s16 =	sld [smem:$0x11];
	(tm) =	ssettm $0x1  }
0x97: {  	s17 =	sld [smem:$0x3FFB];
	_ =	sdelay $0x3  }
0x98: {  	_ =	strace s17  }
0x99: {  	s3 =	sld [smem:$0x3FFC];
	_ =	sdelay $0x3  }
0x9a: {  	_ =	strace s3  }
0x9b: {  	s3 =	sld [smem:$0x3FFD];
	_ =	sdelay $0x3  }
0x9c: {  	_ =	strace s3  }
0x9d: {  	_ =	strace $0x8FFFFFFF  }
0x9e: {  	s18 =	sld [smem:$0x3FDB];
	_ =	sdelay $0x1  }
0x9f: {  	s19 =	simm.s32 $_scs_section_size  }
0xa0: {  	s5 =	simm.s32 $_size__tile_overlayer_lowered;
	s6 =	simm.s32 $_tile_overlayer_lowered  }
0xa1: {  	s22 =	simm.s32 $0x1BFF;
	s21 =	sshll.u32 s6, $0x1;
	s3 =	sadd.s32 s19, s18  }
0xa2: {  	s7 =	simm.s32 $0x0;
	s20 =	sshll.u32 s5, $0x1;
	s5 =	sadd.s32 s21, s3  }
0xa3: {  	[timem:s7], [sflag:s22] =	dma.local [hbm:s5], s20  }
0xa4: {  	_ =	swait.ge [sflag:s22], s20  }
0xa5: {  	s4 =	ssub.s32 $0x0, s20;
	[sflag:s22] =	ssyncset.done $0x0  }
0xa6: {  	[sflag:s22] =	ssyncadd.s32 s4;
	_ =	sdelay $0x1  }
0xa7: {  	s23 =	simm.s32 $0x1B8B  }
0xa8: {  	_ =	swait.ge [sflag:s23], $0x1  }
0xa9: {  	[sflag:s23] =	ssyncset.done $0x0  }
0xaa: {  	s25 =	simm.s32 $0x1B8E;
	s24 =	sld [smem:$0x3FFE];
	[sflag:s23] =	ssyncadd.s32 $0xFFFFFFFF  }
0xab: {  	s26 =	simm.s32 $execute0_lowered;
	[smem:$0x3FD2] =	sst s25  }
0xac: {  	s5 =	sshll.u32 s26, $0x1;
	_ =	strace $0x80000046;
	[dreg:$0x1] =	wrdreg $0xFFFFFFFF  }
0xad: {  	s28 =	simm.s32 $_size_execute0_lowered;
	s3 =	sadd.s32 s3, s5;
	[dreg:$0x0] =	wrdreg $0x0  }
0xae: {  	s5 =	sshll.u32 s28, $0x1;
	[dreg:$0x2] =	wrdreg s3  }
0xaf: {  	[dreg:$0x3] =	wrdreg s5  }
0xb0: {  	[dreg:$0x4] =	wrdreg $0xC0  }
0xb1: {  	_ =	task [dreg:s7], $0x5FFFF  }
0xb2: {  	[dreg:$0x1] =	wrdreg $0xFFFFFFFF  }
0xb3: {  	[dreg:$0x0] =	wrdreg $0x60  }
0xb4: {  	[dreg:$0x2] =	wrdreg s24  }
0xb5: {  	[dreg:$0x3] =	wrdreg s16  }
0xb6: {  	[dreg:$0x4] =	wrdreg $0xA4800  }
0xb7: {  	[dreg:$0x5] =	wrdreg $0x1DD800  }
0xb8: {  	[dreg:$0x6] =	wrdreg $0x9  }
0xb9: {  	_ =	task.clear_ibuf [dreg:s7], $0x7FFFF;
	_ =	strace $0x90000046  }
0xba: {  	s29 =	simm.s32 $0x9;
	_ =	strace $0x80000048  }
0xbb: {  	_ =	swait.ge [sflag:s29], $0x1  }
0xbc: {  	[sflag:s29] =	ssyncadd.s32 $0xFFFFFFFF  }
0xbd: {  	_ =	strace $0x90000048  }
0xbe: {  	_ =	sfence  }
0xbf: {  	s30 =	sld [smem:$0x0];
	_ =	sdelay $0x2  }
0xc0: {  	s31 =	sshll.u32 s1, $0xD;
	s1 =	sshrl.u32 s1, $0x2  }
0xc1: {  	s3 =	sand.u32 $0x4000, s31;
	s1 =	sadd.s32 s1, s30  }
0xc2: {  	s0 =	sor.u32 s3, s0;
	s1 =	sshll.u32 s1, $0x11  }
0xc3: {  	s0 =	sor.u32 s1, s0  }
0xc4: {  	s0 =	sadd.s32 $0x8F2B, s0  }
0xc5: {  	[sflag:s0] =	ssyncadd.remote.s32 $0x1  }
0xc6: {  	_ =	sfence.sel $0xFFFF  }
0xc7: {  	[dreg:$0x0] =	wrdreg $0xFFFFFFFF;
	(pc) =	sbr.abs _section_cstart, $3  }
0xc8: {  	[dreg:$0x1] =	wrdreg $0xFFFFFFFF  }
0xc9: {  	_ =	task.clear_ibuf [dreg:s7], $0x2FFFF;
	_ =	strace $0x9FFFFFFF  }
0xca: {  	(tm) =	ssettm $0x7FFFFFFF  }
0xcb: {  	_ =	shalt  }
tec
execute0_lowered:
.L_overlay_start_1:
0x0: {  	(tag) =	ssettag $0x1  }
0x1: {  	s0 =	rddreg [dreg:$0x0]  }
0x2: {  	s3 =	rddreg [dreg:$0x2]  }
0x3: {  	s4 =	rddreg [dreg:$0x3];
	s16 =	stileid.u32;
	s5 =	simm.s32 $0x0  }
0x4: {  	s2 =	srdreg.scid;
	s18 =	simm.s32 $0xA000;
	s19 =	simm.s32 $0x5  }
0x5: {  	s20 =	simm.s32 $0x1000;
	s21 =	simm.s32 $0x40;
	s28 =	simm.s32 $0x180  }
0x6: {  	s29 =	simm.s32 $0x8000;
	s30 =	simm.s32 $0x1;
	s1 =	smul.u32 $0x3E80, s16  }
0x7: {  	s31 =	simm.s32 $0x2;
	[smem:$0x7FF] =	sst s5;
	s22 =	smul.u32 $0x3E8, s16  }
0x8: {  	s2 =	sand.u32 $0x1, s2;
	s6 =	sadd.s32 $0x53800, s0;
	s13 =	smul.u32 $0x7D000, s16  }
0x9: {  	s7 =	sadd.s32 $0x3800, s0;
	s8 =	sadd.s32 $0x2B800, s0;
	s15 =	smul.u32 $0x140, s16  }
0xa: {  	p0 =	sgt.u32 s16, $0x9;
	s5 =	simm.s32 $0x1E80;
	s9 =	smul.u32 $0x2710, s2  }
0xb: {  	_ =	strace $0x80000047;
	s12 =	smul.u32 $0x1400, s2;
	s2 =	ssub.s32 $0x2, s2  }
0xc: {  	s1 =	sadd.s32 s1, s0;
	s10 =	sshrl.u32 s22, $0x3;
	s14 =	sshrl.u32 s2, $0x1  }
0xd: {  	s23 =	sshrl.u32 s13, $0x2;
	s17 =	sadd.s32 s22, s4;
	s9 =	sadd.s32 s22, s9  }
0xe: {  	s10 =	sadd.s32 s10, s0;
	s2 =	ssub.s32 s2, s14;
	s12 =	sadd.s32 s15, s12  }
0xf: {  	s1 =	sadd.s32 $0xA1A00, s1;
	s22 =	simm.s32 $0x2000;
	s15 =	simm.s32 $0x0  }
0x10: {  	[dreg:$0x7] =	wrdreg s17;
	s11 =	sshll.u32 s9, $0x4;
	s9 =	sshrl.u32 s9, $0x3  }
0x11: {  	[dreg:$0x5] =	wrdreg s1;
	s24 =	sadd.s32 $0xC8C00, s10;
	s12 =	sshll.u32 s12, $0x4  }
0x12: {  	s1 =	sshll.u32 @!p0 s16, $0x6;
	s26 =	smax.u32 s2, $0x1;
	s2 =	simm.s32 $0x1E00  }
0x13: {  	s10 =	simm.s32 $0x1F80;
	s11 =	sadd.s32 s11, s0;
	[dreg:$0x6] =	wrdreg s24  }
0x14: {  	s0 =	sadd.s32 s9, s0;
	s9 =	sadd.s32 s23, s3;
	[dreg:$0xa] =	wrdreg s26  }
0x15: {  	s14 =	sor.u32 @!p0 $0x1C05, s1;
	s23 =	simm.s32 $0x80;
	s24 =	simm.s32 $0x4000  }
0x16: {  	s26 =	simm.s32 $0x6000;
	s25 =	sadd.s32 $0xC9C00, s11;
	[dreg:$0xb] =	wrdreg s14  }
0x17: {  	s1 =	simm.s32 $0x4;
	s0 =	sadd.s32 $0xC9200, s0;
	[dreg:$0x8] =	wrdreg s25  }
0x18: {  	s13 =	sshrl.u32 @!p0 s9, $0x3;
	s9 =	simm.s32 $0x1F00;
	[dreg:$0x9] =	wrdreg s0  }
0x19: {  	s25 =	simm.s32 $0x100;
	s0 =	simm.s32 $0x3;
	[dreg:$0xc] =	wrdreg s13  }
.LBB2_1:
0x1a: {  	[dreg:$0xd] =	wrdreg s15  }
0x1b: {  	s11 =	rddreg [dreg:$0x5]  }
0x1c: {  	[spmem:s13], [sflag:s14] =	dma.local @!p0 [hbm:s11], $0x3E80  }
0x1d: {  	s11 =	simm.s32 @!p0 $0x5  }
0x1e: {  	_ =	swait.ge @!p0 [sflag:s11], $0x3E80  }
0x1f: {  	s15 =	simm.s32 @!p0 $0xA080;
	[sflag:s11] =	ssyncset.done @!p0 $0x0  }
0x20: {  	s14 =	simm.s32 @!p0 $0x0;
	s16 =	rddreg [dreg:$0x6];
	[sflag:s11] =	ssyncadd.s32 @!p0 $0xFFFFC180  }
0x21: {  	[tilespmem:s15], [sflag:$0x5] =	stream.linear.gather @!p0 [hbm4b:s16+s14], $0x3E8, $0x38;
	[tilespmem:$0x1DFF8] =	vst v63  }
0x22: {  	_ =	swait.ge @!p0 [sflag:s11], $0x3E8  }
0x23: {  	[sflag:s11] =	ssyncset.done @!p0 $0x0  }
0x24: {  	[sflag:s11] =	ssyncadd.s32 @!p0 $0xFFFFFC18  }
0x25: {  	[spmem:s17] =	stream.linear.scatter @!p0 [tilespmem:s15], [sflag:$0x5], $0x3E8, $0x38;
	[tilespmem:$0x1DFF8] =	vst v63  }
0x26: {  	_ =	swait.ge @!p0 [sflag:s11], $0x3E8  }
0x27: {  	[sflag:s11] =	ssyncset.done @!p0 $0x0  }
0x28: {  	[sflag:s11] =	ssyncadd.s32 @!p0 $0xFFFFFC18  }
0x29: {  	s17 =	simm.s32 $0x0;
	s11 =	rddreg [dreg:$0x1]  }
0x2a: {  	[tilespmem:s18], [sflag:$0x5] =	stream.linear.gather [hbm4b:s11+s17], $0x80, $0x38;
	[tilespmem:$0x1DFF8] =	vst v63  }
0x2b: {  	_ =	swait.ge [sflag:s19], $0x80  }
0x2c: {  	[sflag:s19] =	ssyncset.done $0x0  }
0x2d: {  	[sflag:s19] =	ssyncadd.s32 $0xFFFFFF80  }
0x2e: {  	s14 =	simm.s32 $0x0;
	[bflag:$0x0] =	sbarrier.arrive $0xFFFF  }
.LBB2_2:
0x2f: {  	s11 =	sshll.u32 s14, $0x9  }
0x30: {  	s11 =	sadd.s32 s12, s11  }
0x31: {  	s16 =	simm.s32 $0x0;
	s15 =	sadd.s32 s7, s11  }
0x32: {  	[tilespmem:s16], [sflag:$0x5] =	stream.linear.gather [hbm4b:s15+s16], $0x1000, $0x38;
	[tilespmem:$0x1DFF8] =	vst v63  }
0x33: {  	_ =	swait.ge [sflag:s19], $0x1000  }
0x34: {  	[sflag:s19] =	ssyncset.done $0x0  }
0x35: {  	s11 =	sadd.s32 s8, s11;
	[sflag:s19] =	ssyncadd.s32 $0xFFFFF000  }
0x36: {  	[tilespmem:s20], [sflag:$0x5] =	stream.linear.gather [hbm4b:s11+s16], $0x1000, $0x38;
	[tilespmem:$0x1DFF8] =	vst v63  }
0x37: {  	_ =	swait.ge [sflag:s19], $0x1000  }
0x38: {  	[sflag:s19] =	ssyncset.done $0x0  }
0x39: {  	[sflag:s19] =	ssyncadd.s32 $0xFFFFF000  }
0x3a: {  	[tilespmem:s22], [sflag:$0x1] =	stream.indirect.gather [hbm4b:s6+s21], $0x80, s16, s21, $0xb8;
	[tilespmem:$0x1DFF8] =	vst v63  }
0x3b: {  	_ = 	snop  }
0x3c: {  	[tilespmem:s24], [sflag:$0x2] =	stream.indirect.gather [hbm4b:s6+s21], $0x80, s23, s21, $0xb8;
	[tilespmem:$0x1DFF8] =	vst v63  }
0x3d: {  	_ = 	snop  }
0x3e: {  	[tilespmem:s26], [sflag:$0x3] =	stream.indirect.gather [hbm4b:s6+s21], $0x80, s25, s21, $0xb8;
	[tilespmem:$0x1DFF8] =	vst v63  }
0x3f: {  	_ = 	snop  }
0x40: {  	[tilespmem:s29], [sflag:$0x4] =	stream.indirect.gather [hbm4b:s6+s21], $0x80, s28, s21, $0xb8;
	[tilespmem:$0x1DFF8] =	vst v63  }
0x41: {  	_ =	swait.ge [sflag:s30], $0x2000  }
0x42: {  	[sflag:s30] =	ssyncset.done $0x0  }
0x43: {  	s15 =	simm.s32 $0x1000;
	[sflag:s30] =	ssyncadd.s32 $0xFFFFE000  }
0x44: {  	[spmem:s3] =	stream.indirect.scatter.add.f32 [tilespmem:s22], [sflag:$0x5], $0x80, s15, s21, $0xb8;
	[tilespmem:$0x1DFF8] =	vst v63  }
0x45: {  	_ =	swait.ge [sflag:s19], $0x2000  }
0x46: {  	[sflag:s19] =	ssyncset.done $0x0  }
0x47: {  	[sflag:s19] =	ssyncadd.s32 $0xFFFFE000  }
0x48: {  	[spmem:s4] =	stream.indirect.scatter.add.f32 [tilespmem:s18], [sflag:$0x5], $0x1, s15, s21, $0xb8;
	[tilespmem:$0x1DFF8] =	vst v63  }
0x49: {  	_ =	swait.ge [sflag:s19], $0x40  }
0x4a: {  	[sflag:s19] =	ssyncset.done $0x0  }
0x4b: {  	s16 =	simm.s32 $0x200;
	[sflag:s19] =	ssyncadd.s32 $0xFFFFFFC0  }
0x4c: {  	[tilespmem:s22], [sflag:$0x1] =	stream.indirect.gather [hbm4b:s6+s21], $0x80, s16, s21, $0xb8;
	[tilespmem:$0x1DFF8] =	vst v63  }
0x4d: {  	_ =	swait.ge [sflag:s31], $0x2000  }
0x4e: {  	[sflag:s31] =	ssyncset.done $0x0  }
0x4f: {  	s17 =	simm.s32 $0x1080;
	[sflag:s31] =	ssyncadd.s32 $0xFFFFE000  }
0x50: {  	[spmem:s3] =	stream.indirect.scatter.add.f32 [tilespmem:s24], [sflag:$0x5], $0x80, s17, s21, $0xb8;
	[tilespmem:$0x1DFF8] =	vst v63  }
0x51: {  	_ =	swait.ge [sflag:s19], $0x2000  }
0x52: {  	[sflag:s19] =	ssyncset.done $0x0  }
0x53: {  	[sflag:s19] =	ssyncadd.s32 $0xFFFFE000  }
0x54: {  	[spmem:s4] =	stream.indirect.scatter.add.f32 [tilespmem:s18], [sflag:$0x5], $0x1, s17, s21, $0xb8;
	[tilespmem:$0x1DFF8] =	vst v63  }
0x55: {  	_ =	swait.ge [sflag:s19], $0x40  }
0x56: {  	[sflag:s19] =	ssyncset.done $0x0  }
0x57: {  	s13 =	simm.s32 $0x280;
	[sflag:s19] =	ssyncadd.s32 $0xFFFFFFC0  }
0x58: {  	[tilespmem:s24], [sflag:$0x2] =	stream.indirect.gather [hbm4b:s6+s21], $0x80, s13, s21, $0xb8;
	[tilespmem:$0x1DFF8] =	vst v63  }
0x59: {  	_ =	swait.ge [sflag:s0], $0x2000  }
0x5a: {  	[sflag:s0] =	ssyncset.done $0x0  }
0x5b: {  	s15 =	simm.s32 $0x1100;
	[sflag:s0] =	ssyncadd.s32 $0xFFFFE000  }
0x5c: {  	[spmem:s3] =	stream.indirect.scatter.add.f32 [tilespmem:s26], [sflag:$0x5], $0x80, s15, s21, $0xb8;
	[tilespmem:$0x1DFF8] =	vst v63  }
0x5d: {  	_ =	swait.ge [sflag:s19], $0x2000  }
0x5e: {  	[sflag:s19] =	ssyncset.done $0x0  }
0x5f: {  	[sflag:s19] =	ssyncadd.s32 $0xFFFFE000  }
0x60: {  	[spmem:s4] =	stream.indirect.scatter.add.f32 [tilespmem:s18], [sflag:$0x5], $0x1, s15, s21, $0xb8;
	[tilespmem:$0x1DFF8] =	vst v63  }
0x61: {  	_ =	swait.ge [sflag:s19], $0x40  }
0x62: {  	[sflag:s19] =	ssyncset.done $0x0  }
0x63: {  	s16 =	simm.s32 $0x300;
	[sflag:s19] =	ssyncadd.s32 $0xFFFFFFC0  }
0x64: {  	[tilespmem:s26], [sflag:$0x3] =	stream.indirect.gather [hbm4b:s6+s21], $0x80, s16, s21, $0xb8;
	[tilespmem:$0x1DFF8] =	vst v63  }
0x65: {  	_ =	swait.ge [sflag:s1], $0x2000  }
0x66: {  	[sflag:s1] =	ssyncset.done $0x0  }
0x67: {  	s17 =	simm.s32 $0x1180;
	[sflag:s1] =	ssyncadd.s32 $0xFFFFE000  }
0x68: {  	[spmem:s3] =	stream.indirect.scatter.add.f32 [tilespmem:s29], [sflag:$0x5], $0x80, s17, s21, $0xb8;
	[tilespmem:$0x1DFF8] =	vst v63  }
0x69: {  	_ =	swait.ge [sflag:s19], $0x2000  }
0x6a: {  	[sflag:s19] =	ssyncset.done $0x0  }
0x6b: {  	[sflag:s19] =	ssyncadd.s32 $0xFFFFE000  }
0x6c: {  	[spmem:s4] =	stream.indirect.scatter.add.f32 [tilespmem:s18], [sflag:$0x5], $0x1, s17, s21, $0xb8;
	[tilespmem:$0x1DFF8] =	vst v63  }
0x6d: {  	_ =	swait.ge [sflag:s19], $0x40  }
0x6e: {  	[sflag:s19] =	ssyncset.done $0x0  }
0x6f: {  	s11 =	simm.s32 $0x380;
	s15 =	simm.s32 $0x800;
	[sflag:s19] =	ssyncadd.s32 $0xFFFFFFC0  }
.LBB2_3:
0x70: {  	[tilespmem:s29], [sflag:$0x4] =	stream.indirect.gather [hbm4b:s6+s21], $0x80, s11, s21, $0xb8;
	[tilespmem:$0x1DFF8] =	vst v63  }
0x71: {  	s11 =	smov.u32 s15  }
0x72: {  	p1 =	sne.s32 s15, $0x3000;
	s15 =	sadd.s32 $0x800, s15;
	_ =	swait.ge [sflag:s30], $0x2000  }
0x73: {  	s11 =	sshra.s32 s11, $0x2;
	[sflag:s30] =	ssyncset.done $0x0  }
0x74: {  	s16 =	sadd.s32 $0x1000, s11;
	[sflag:s30] =	ssyncadd.s32 $0xFFFFE000  }
0x75: {  	[spmem:s3] =	stream.indirect.scatter.add.f32 [tilespmem:s22], [sflag:$0x5], $0x80, s16, s21, $0xb8;
	[tilespmem:$0x1DFF8] =	vst v63  }
0x76: {  	_ =	swait.ge [sflag:s19], $0x2000  }
0x77: {  	[sflag:s19] =	ssyncset.done $0x0  }
0x78: {  	[sflag:s19] =	ssyncadd.s32 $0xFFFFE000  }
0x79: {  	[spmem:s4] =	stream.indirect.scatter.add.f32 [tilespmem:s18], [sflag:$0x5], $0x1, s16, s21, $0xb8;
	[tilespmem:$0x1DFF8] =	vst v63  }
0x7a: {  	_ =	swait.ge [sflag:s19], $0x40  }
0x7b: {  	[sflag:s19] =	ssyncset.done $0x0  }
0x7c: {  	s16 =	sadd.s32 $0x200, s11;
	[sflag:s19] =	ssyncadd.s32 $0xFFFFFFC0  }
0x7d: {  	[tilespmem:s22], [sflag:$0x1] =	stream.indirect.gather [hbm4b:s6+s21], $0x80, s16, s21, $0xb8;
	[tilespmem:$0x1DFF8] =	vst v63  }
0x7e: {  	_ =	swait.ge [sflag:s31], $0x2000  }
0x7f: {  	[sflag:s31] =	ssyncset.done $0x0  }
0x80: {  	s16 =	sadd.s32 $0x1080, s11;
	[sflag:s31] =	ssyncadd.s32 $0xFFFFE000  }
0x81: {  	[spmem:s3] =	stream.indirect.scatter.add.f32 [tilespmem:s24], [sflag:$0x5], $0x80, s16, s21, $0xb8;
	[tilespmem:$0x1DFF8] =	vst v63  }
0x82: {  	_ =	swait.ge [sflag:s19], $0x2000  }
0x83: {  	[sflag:s19] =	ssyncset.done $0x0  }
0x84: {  	[sflag:s19] =	ssyncadd.s32 $0xFFFFE000  }
0x85: {  	[spmem:s4] =	stream.indirect.scatter.add.f32 [tilespmem:s18], [sflag:$0x5], $0x1, s16, s21, $0xb8;
	[tilespmem:$0x1DFF8] =	vst v63  }
0x86: {  	_ =	swait.ge [sflag:s19], $0x40  }
0x87: {  	[sflag:s19] =	ssyncset.done $0x0  }
0x88: {  	s16 =	sadd.s32 $0x280, s11;
	[sflag:s19] =	ssyncadd.s32 $0xFFFFFFC0  }
0x89: {  	[tilespmem:s24], [sflag:$0x2] =	stream.indirect.gather [hbm4b:s6+s21], $0x80, s16, s21, $0xb8;
	[tilespmem:$0x1DFF8] =	vst v63  }
0x8a: {  	_ =	swait.ge [sflag:s0], $0x2000  }
0x8b: {  	[sflag:s0] =	ssyncset.done $0x0  }
0x8c: {  	s16 =	sadd.s32 $0x1100, s11;
	[sflag:s0] =	ssyncadd.s32 $0xFFFFE000  }
0x8d: {  	[spmem:s3] =	stream.indirect.scatter.add.f32 [tilespmem:s26], [sflag:$0x5], $0x80, s16, s21, $0xb8;
	[tilespmem:$0x1DFF8] =	vst v63  }
0x8e: {  	_ =	swait.ge [sflag:s19], $0x2000  }
0x8f: {  	[sflag:s19] =	ssyncset.done $0x0  }
0x90: {  	[sflag:s19] =	ssyncadd.s32 $0xFFFFE000  }
0x91: {  	[spmem:s4] =	stream.indirect.scatter.add.f32 [tilespmem:s18], [sflag:$0x5], $0x1, s16, s21, $0xb8;
	[tilespmem:$0x1DFF8] =	vst v63  }
0x92: {  	_ =	swait.ge [sflag:s19], $0x40  }
0x93: {  	[sflag:s19] =	ssyncset.done $0x0  }
0x94: {  	s16 =	sadd.s32 $0x300, s11;
	[sflag:s19] =	ssyncadd.s32 $0xFFFFFFC0  }
0x95: {  	[tilespmem:s26], [sflag:$0x3] =	stream.indirect.gather [hbm4b:s6+s21], $0x80, s16, s21, $0xb8;
	[tilespmem:$0x1DFF8] =	vst v63  }
0x96: {  	_ =	swait.ge [sflag:s1], $0x2000  }
0x97: {  	[sflag:s1] =	ssyncset.done $0x0  }
0x98: {  	s16 =	sadd.s32 $0x1180, s11;
	[sflag:s1] =	ssyncadd.s32 $0xFFFFE000  }
0x99: {  	[spmem:s3] =	stream.indirect.scatter.add.f32 [tilespmem:s29], [sflag:$0x5], $0x80, s16, s21, $0xb8;
	[tilespmem:$0x1DFF8] =	vst v63  }
0x9a: {  	_ =	swait.ge [sflag:s19], $0x2000  }
0x9b: {  	[sflag:s19] =	ssyncset.done $0x0  }
.Ltmp0:
0x9c: {  	[sflag:s19] =	ssyncadd.s32 $0xFFFFE000;
	(pc) =	sbr.rel @p1 .LBB2_3-.Ltmp0, $4  }
0x9d: {  	[spmem:s4] =	stream.indirect.scatter.add.f32 [tilespmem:s18], [sflag:$0x5], $0x1, s16, s21, $0xb8;
	[tilespmem:$0x1DFF8] =	vst v63  }
0x9e: {  	_ =	swait.ge [sflag:s19], $0x40  }
0x9f: {  	[sflag:s19] =	ssyncset.done $0x0  }
0xa0: {  	s11 =	sadd.s32 $0x380, s11;
	[sflag:s19] =	ssyncadd.s32 $0xFFFFFFC0  }
0xa1: {  	[tilespmem:s29], [sflag:$0x4] =	stream.indirect.gather [hbm4b:s6+s21], $0x80, s11, s21, $0xb8;
	[tilespmem:$0x1DFF8] =	vst v63  }
0xa2: {  	_ =	swait.ge [sflag:s30], $0x2000  }
0xa3: {  	[sflag:s30] =	ssyncset.done $0x0  }
0xa4: {  	[sflag:s30] =	ssyncadd.s32 $0xFFFFE000  }
0xa5: {  	[spmem:s3] =	stream.indirect.scatter.add.f32 [tilespmem:s22], [sflag:$0x5], $0x80, s2, s21, $0xb8;
	[tilespmem:$0x1DFF8] =	vst v63  }
0xa6: {  	_ =	swait.ge [sflag:s19], $0x2000  }
0xa7: {  	[sflag:s19] =	ssyncset.done $0x0  }
0xa8: {  	[sflag:s19] =	ssyncadd.s32 $0xFFFFE000  }
0xa9: {  	[spmem:s4] =	stream.indirect.scatter.add.f32 [tilespmem:s18], [sflag:$0x5], $0x1, s2, s21, $0xb8;
	[tilespmem:$0x1DFF8] =	vst v63  }
0xaa: {  	_ =	swait.ge [sflag:s19], $0x40  }
0xab: {  	[sflag:s19] =	ssyncset.done $0x0  }
0xac: {  	[sflag:s19] =	ssyncadd.s32 $0xFFFFFFC0  }
0xad: {  	_ =	swait.ge [sflag:s31], $0x2000  }
0xae: {  	[sflag:s31] =	ssyncset.done $0x0  }
0xaf: {  	[sflag:s31] =	ssyncadd.s32 $0xFFFFE000  }
0xb0: {  	[spmem:s3] =	stream.indirect.scatter.add.f32 [tilespmem:s24], [sflag:$0x5], $0x80, s5, s21, $0xb8;
	[tilespmem:$0x1DFF8] =	vst v63  }
0xb1: {  	_ =	swait.ge [sflag:s19], $0x2000  }
0xb2: {  	[sflag:s19] =	ssyncset.done $0x0  }
0xb3: {  	[sflag:s19] =	ssyncadd.s32 $0xFFFFE000  }
0xb4: {  	[spmem:s4] =	stream.indirect.scatter.add.f32 [tilespmem:s18], [sflag:$0x5], $0x1, s5, s21, $0xb8;
	[tilespmem:$0x1DFF8] =	vst v63  }
0xb5: {  	_ =	swait.ge [sflag:s19], $0x40  }
0xb6: {  	[sflag:s19] =	ssyncset.done $0x0  }
0xb7: {  	[sflag:s19] =	ssyncadd.s32 $0xFFFFFFC0  }
0xb8: {  	_ =	swait.ge [sflag:s0], $0x2000  }
0xb9: {  	[sflag:s0] =	ssyncset.done $0x0  }
0xba: {  	[sflag:s0] =	ssyncadd.s32 $0xFFFFE000  }
0xbb: {  	[spmem:s3] =	stream.indirect.scatter.add.f32 [tilespmem:s26], [sflag:$0x5], $0x80, s9, s21, $0xb8;
	[tilespmem:$0x1DFF8] =	vst v63  }
0xbc: {  	_ =	swait.ge [sflag:s19], $0x2000  }
0xbd: {  	[sflag:s19] =	ssyncset.done $0x0  }
0xbe: {  	[sflag:s19] =	ssyncadd.s32 $0xFFFFE000  }
0xbf: {  	[spmem:s4] =	stream.indirect.scatter.add.f32 [tilespmem:s18], [sflag:$0x5], $0x1, s9, s21, $0xb8;
	[tilespmem:$0x1DFF8] =	vst v63  }
0xc0: {  	_ =	swait.ge [sflag:s19], $0x40  }
0xc1: {  	[sflag:s19] =	ssyncset.done $0x0  }
0xc2: {  	[sflag:s19] =	ssyncadd.s32 $0xFFFFFFC0  }
0xc3: {  	_ =	swait.ge [sflag:s1], $0x2000  }
0xc4: {  	[sflag:s1] =	ssyncset.done $0x0  }
0xc5: {  	[sflag:s1] =	ssyncadd.s32 $0xFFFFE000  }
0xc6: {  	[spmem:s3] =	stream.indirect.scatter.add.f32 [tilespmem:s29], [sflag:$0x5], $0x80, s10, s21, $0xb8;
	[tilespmem:$0x1DFF8] =	vst v63  }
0xc7: {  	s14 =	sadd.s32 $0x1, s14;
	_ =	swait.ge [sflag:s19], $0x2000  }
0xc8: {  	p1 =	sne.s32 s14, $0xA;
	[sflag:s19] =	ssyncset.done $0x0  }
.Ltmp1:
0xc9: {  	[sflag:s19] =	ssyncadd.s32 $0xFFFFE000;
	(pc) =	sbr.rel @p1 .LBB2_2-.Ltmp1, $4  }
0xca: {  	[spmem:s4] =	stream.indirect.scatter.add.f32 [tilespmem:s18], [sflag:$0x5], $0x1, s10, s21, $0xb8;
	[tilespmem:$0x1DFF8] =	vst v63  }
0xcb: {  	_ =	swait.ge [sflag:s19], $0x40  }
0xcc: {  	[sflag:s19] =	ssyncset.done $0x0  }
0xcd: {  	[sflag:s19] =	ssyncadd.s32 $0xFFFFFFC0  }
0xce: {  	[bflag:$0x0] =	sbarrier.arrive $0xFFFF  }
0xcf: {  	s11 =	rddreg [dreg:$0x8]  }
0xd0: {  	s20 =	rddreg [dreg:$0xb]  }
0xd1: {  	s13 =	rddreg [dreg:$0xc]  }
0xd2: {  	[hbm:s11], [sflag:s20] =	dma.local @!p0 [spmem:s13], $0x3E80  }
0xd3: {  	s11 =	simm.s32 @!p0 $0x5  }
0xd4: {  	_ =	swait.ge @!p0 [sflag:s11], $0x3E80  }
0xd5: {  	[sflag:s11] =	ssyncset.done @!p0 $0x0  }
0xd6: {  	s14 =	simm.s32 @!p0 $0xA080;
	s17 =	rddreg [dreg:$0x7];
	[sflag:s11] =	ssyncadd.s32 @!p0 $0xFFFFC180  }
0xd7: {  	[tilespmem:s14], [sflag:$0x5] =	stream.linear.gather @!p0 [spmem:s17], $0x3E8, $0x38;
	[tilespmem:$0x1DFF8] =	vst v63  }
0xd8: {  	_ =	swait.ge @!p0 [sflag:s11], $0x3E8  }
0xd9: {  	[sflag:s11] =	ssyncset.done @!p0 $0x0  }
0xda: {  	s15 =	simm.s32 @!p0 $0x0;
	s16 =	rddreg [dreg:$0x9];
	[sflag:s11] =	ssyncadd.s32 @!p0 $0xFFFFFC18  }
0xdb: {  	[hbm4b:s16+s15] =	stream.linear.scatter @!p0 [tilespmem:s14], [sflag:$0x5], $0x3E8, $0x38;
	[tilespmem:$0x1DFF8] =	vst v63  }
0xdc: {  	_ =	swait.ge @!p0 [sflag:s11], $0x3E8  }
0xdd: {  	s14 =	rddreg [dreg:$0xd]  }
0xde: {  	s16 =	rddreg [dreg:$0xa];
	s15 =	sadd.s32 $0x1, s14  }
0xdf: {  	p1 =	sne.s32 s15, s16  }
.Ltmp2:
0xe0: {  	_ = 	snop;
	(pc) =	sbr.rel @p1 .LBB2_1-.Ltmp2, $3  }
0xe1: {  	_ =	sdelay $0x1  }
0xe2: {  	[sflag:s11] =	ssyncset.done @!p0 $0x0  }
0xe3: {  	s14 =	smov.u32 s20;
	s20 =	simm.s32 $0x1000;
	[sflag:s11] =	ssyncadd.s32 @!p0 $0xFFFFFC18  }
0xe4: {  	_ =	sfence.sel $0x180000  }
0xe5: {  	[bflag:$0x0] =	sbarrier.arrive $0xFFFF  }
0xe6: {  	_ =	strace $0x90000047  }
0xe7: {  	s0 =	stileid.u32;
	[bflag:$0x2] =	sbarrier.arrive $0xFFFF  }
0xe8: {  	p0 =	sne.s32 s0, $0x0;
	s0 =	rddreg [dreg:$0x4]  }
0xe9: {  	s0 =	sadd.s32 @!p0 $0x100000, s0  }
0xea: {  	[sflag:s0] =	ssyncadd.tile.s32 @!p0 $0x1;
	_ =	shalt  }
.Lfunc_end2:
_tile_overlayer_lowered:
.L_overlay_start_2:
0xeb: {  	(tag) =	ssettag $0x2  }
0xec: {  	s0 =	rddreg [dreg:$0x0];
	s2 =	stileid.u32  }
0xed: {  	s1 =	rddreg [dreg:$0x1];
	p0 =	sne.s32 s2, $0x0  }
0xee: {  	s3 =	rddreg [dreg:$0x2];
	[bflag:$0x3] =	sbarrier.arrive $0xFFFF;
	s2 =	simm.s32 @!p0 $0x1C05  }
0xef: {  	[timem:s3], [sflag:s2] =	dma.local @!p0 [hbm:s0], s1  }
0xf0: {  	s0 =	simm.s32 @!p0 $0x5  }
0xf1: {  	_ =	swait.ge @!p0 [sflag:s0], s1  }
0xf2: {  	s1 =	ssub.s32 @!p0 $0x0, s1;
	[sflag:s0] =	ssyncset.done @!p0 $0x0  }
0xf3: {  	[sflag:s0] =	ssyncadd.s32 @!p0 s1  }
0xf4: {  	[bflag:$0x3] =	sbarrier.arrive $0xFFFF  }
0xf5: {  	_ =	shalt  }

</sc_bundles>
